<compile_context>
chip_gen: v7x
topology: tpu7x:2x2x1
jax: 0.10.2.dev20260603
libtpu: 0.0.44.dev20260713+nightly
codegen_flags: <defaults>
</compile_context>

<pallas_src>
import jax
import jax.numpy as jnp
from jax import lax
from jax.experimental import pallas as pl
from jax.experimental.pallas import tpu as pltpu
from jax.experimental.pallas import tpu_sc as plsc

B, C, H, W, K = 16, 2, 512, 512, 256
HW = H * W
L = 16
NC = 2
NS = 16
NWORK = NC * NS
PAIRS = B * K
PW = PAIRS // NWORK
EW = PW * C
ROWS_PER_DMA = 64
NPASS = EW // ROWS_PER_DMA
CHUNKS_PER_PASS = ROWS_PER_DMA // L


def _sc_body(table, ind_flat, mask_flat, target_flat, part_hbm,
             ind_v, mask_v, tgt_v, idx_v, col_v, rows0_v, rows1_v, term_v,
             accs_v, red_v, shared, sem0, sem1):
    cid = lax.axis_index("c")
    sid = lax.axis_index("s")
    wid = cid * NS + sid
    base_pair = wid * PW
    pltpu.sync_copy(ind_flat.at[pl.ds(base_pair, PW)], ind_v)
    pltpu.sync_copy(mask_flat.at[pl.ds(base_pair, PW)], mask_v)
    pltpu.sync_copy(target_flat.at[pl.ds(base_pair * C, EW)], tgt_v)
    b = base_pair // K
    for i in range(EW // L):
        e = lax.iota(jnp.int32, L) + i * L
        pair = e >> 1
        ch = e & 1
        p = plsc.load_gather(ind_v, [pair])
        idx_v[pl.ds(i * L, L)] = (b * C + ch) * H + (p >> 9)
        col_v[pl.ds(i * L, L)] = p & (W - 1)

    rows_bufs = (rows0_v, rows1_v)
    sems = (sem0, sem1)

    def fire(ps):
        return pltpu.async_copy(
            table.at[idx_v.at[pl.ds(ps * ROWS_PER_DMA, ROWS_PER_DMA)]],
            rows_bufs[ps % 2], sems[ps % 2])

    pending = fire(0)
    for ps in range(NPASS):
        pending.wait()
        if ps + 1 < NPASS:
            pending = fire(ps + 1)
        rows_v = rows_bufs[ps % 2]
        for i in range(CHUNKS_PER_PASS):
            off = ps * ROWS_PER_DMA + i * L
            pair = (lax.iota(jnp.int32, L) + off) >> 1
            e_loc = lax.iota(jnp.int32, L) + i * L
            col = col_v[pl.ds(off, L)]
            vals = plsc.load_gather(rows_v, [e_loc, col])
            m = plsc.load_gather(mask_v, [pair])
            t = tgt_v[pl.ds(off, L)]
            term_v[pl.ds(off, L)] = jnp.abs(vals * m - t * m)
    acc = jnp.zeros((L,), jnp.float32)
    macc = jnp.zeros((L,), jnp.float32)
    for i in range(EW // L):
        e = lax.iota(jnp.int32, L) + i * L
        acc = acc + term_v[pl.ds(i * L, L)]
        macc = macc + plsc.load_gather(mask_v, [e >> 1])
    accs_v[pl.ds(0, L)] = acc
    accs_v[pl.ds(L, L)] = macc
    pltpu.sync_copy(accs_v, shared.at[pl.ds(sid * 2 * L, 2 * L)])

    plsc.subcore_barrier()

    @pl.when(sid == 0)
    def _reduce_core():
        pltpu.sync_copy(shared, red_v)
        a = jnp.zeros((L,), jnp.float32)
        ma = jnp.zeros((L,), jnp.float32)
        for w_ in range(NS):
            a = a + red_v[pl.ds(w_ * 2 * L, L)]
            ma = ma + red_v[pl.ds(w_ * 2 * L + L, L)]
        accs_v[pl.ds(0, L)] = a
        accs_v[pl.ds(L, L)] = ma
        pltpu.sync_copy(accs_v, part_hbm.at[cid])


_sc_launch = pl.kernel(
    _sc_body,
    out_type=jax.ShapeDtypeStruct((NC, 2 * L), jnp.float32),
    mesh=plsc.VectorSubcoreMesh(core_axis_name="c", subcore_axis_name="s"),
    compiler_params=pltpu.CompilerParams(
        needs_layout_passes=False, use_tc_tiling_on_sc=True),
    scratch_types=[
        pltpu.VMEM((PW,), jnp.int32),
        pltpu.VMEM((PW,), jnp.float32),
        pltpu.VMEM((EW,), jnp.float32),
        pltpu.VMEM((EW,), jnp.int32),
        pltpu.VMEM((EW,), jnp.int32),
        pltpu.VMEM((ROWS_PER_DMA, W), jnp.float32),
        pltpu.VMEM((ROWS_PER_DMA, W), jnp.float32),
        pltpu.VMEM((EW,), jnp.float32),
        pltpu.VMEM((2 * L,), jnp.float32),
        pltpu.VMEM((NS * 2 * L,), jnp.float32),
        pltpu.VMEM_SHARED((NS * 2 * L,), jnp.float32),
        pltpu.SemaphoreType.DMA,
        pltpu.SemaphoreType.DMA,
    ],
)


def _combine_body(part_ref, out_ref):
    lsum = jnp.sum(part_ref[:, 0:L])
    msum = jnp.sum(part_ref[:, L:2 * L])
    out_ref[...] = jnp.full((1, 1), lsum / (msum + jnp.float32(1e-4)),
                            jnp.float32)


_combine = pl.pallas_call(
    _combine_body,
    out_shape=jax.ShapeDtypeStruct((1, 1), jnp.float32),
)


def kernel(output, mask, ind, target):
    table = output.reshape(B * C * H, W)
    ind_flat = ind.reshape(PAIRS)
    mask_flat = mask.reshape(PAIRS)
    target_flat = target.reshape(PAIRS * C)
    part = _sc_launch(table, ind_flat, mask_flat, target_flat)
    return _combine(part)[0, 0]

# --- scband reference (transcript-rebuilt; emitter-appended) ---
"""Pipeline reference for scband-reg-l1-loss-40518721470873 (READ-ONLY COPY).

The authoritative reference and input builder live on the scoring server;
editing this copy changes nothing except your own understanding.
"""

import jax, jax.numpy as jnp
import numpy as np

B, C, H, W, K = 16, 2, 512, 512, 256

def setup_inputs(seed: int = 0) -> dict:
    key = jax.random.key(seed)
    k1, k2, k3 = jax.random.split(key, 3)
    output = jax.random.normal(k1, (B, C, H, W), dtype=jnp.float32)
    mask = jnp.ones((B, K, 1), dtype=jnp.float32)
    ind = jax.random.randint(k2, (B, K, 1), 0, H * W, dtype=jnp.int32)
    target = jax.random.normal(k3, (B, K, C), dtype=jnp.float32)
    return {"output": output, "mask": mask, "ind": ind, "target": target}

def reference(output, mask, ind, target):
    # _tranpose_and_gather_feat: permute(0,2,3,1) -> view(B, H*W, C) -> gather along dim 1
    feat = jnp.transpose(output, (0, 2, 3, 1)).reshape(output.shape[0], -1, output.shape[1])
    dim = feat.shape[2]
    ind_exp = jnp.broadcast_to(ind, (ind.shape[0], ind.shape[1], dim))
    pred = jnp.take_along_axis(feat, ind_exp, axis=1)
    maskf = jnp.broadcast_to(mask, pred.shape).astype(jnp.float32)
    loss = jnp.sum(jnp.abs(pred * maskf - target * maskf))
    loss = loss / (jnp.sum(maskf) + 0.0001)
    return loss

if __name__ == "__main__":
    import jax
    _d = setup_inputs()
    print(jax.jit(kernel)(*tuple(_d.values())))

</pallas_src>

<mosaic_0001>
#map = affine_map<(d0, d1) -> (0, 0)>
#map1 = affine_map<(d0, d1) -> (0)>
module attributes {stable_mosaic.version = 14 : i64} {
  func.func @_sc_body(%arg0: i32, %arg1: i32, %arg2: memref<16384x512xf32, #tpu.memory_space<hbm>>, %arg3: memref<4096xi32, #tpu.memory_space<hbm>>, %arg4: memref<4096xf32, #tpu.memory_space<hbm>>, %arg5: memref<8192xf32, #tpu.memory_space<hbm>>, %arg6: memref<2x32xf32, #tpu.memory_space<hbm>>, %arg7: memref<128xi32, #tpu.memory_space<vmem>>, %arg8: memref<128xf32, #tpu.memory_space<vmem>>, %arg9: memref<256xf32, #tpu.memory_space<vmem>>, %arg10: memref<256xi32, #tpu.memory_space<vmem>>, %arg11: memref<256xi32, #tpu.memory_space<vmem>>, %arg12: memref<64x512xf32, #tpu.memory_space<vmem>>, %arg13: memref<64x512xf32, #tpu.memory_space<vmem>>, %arg14: memref<256xf32, #tpu.memory_space<vmem>>, %arg15: memref<32xf32, #tpu.memory_space<vmem>>, %arg16: memref<512xf32, #tpu.memory_space<vmem>>, %arg17: memref<512xf32, #tpu.memory_space<vmem_shared>>, %arg18: memref<!tpu.dma_semaphore, #tpu.memory_space<semaphore_mem>>, %arg19: memref<!tpu.dma_semaphore, #tpu.memory_space<semaphore_mem>>) attributes {dimension_semantics = [#tpu.dimension_semantics<core_parallel>, #tpu.dimension_semantics<subcore_parallel>], iteration_bounds = array<i64: 2, 16>, scalar_prefetch = 0 : i64, scratch_operands = 13 : i64, tpu.core_type = #tpu.core_type<sc_vector_subcore>, window_params = [{transform_indices = #map}, {transform_indices = #map1}, {transform_indices = #map1}, {transform_indices = #map1}, {transform_indices = #map}]} {
    %mul3A = arith.constant 16 : i32
    %mul3A_0 = arith.muli %arg0, %mul3A : i32
    %add3A = arith.addi %mul3A_0, %arg1 : i32
    %mul3A_1 = arith.constant 128 : i32
    %mul3A_2 = arith.muli %add3A, %mul3A_1 : i32
    "tpu.region"() ({
      %run_scoped3A = tpu.sem_alloc : memref<!tpu.dma_semaphore, #tpu.memory_space<semaphore_mem>>
      %dma_start3A_1090 = tpu.memref_slice %arg3[%mul3A_2] : memref<4096xi32, #tpu.memory_space<hbm>> -> memref<128xi32, #tpu.memory_space<hbm>>
      %dma_start3A_1091 = tpu.memref_slice %arg3[%mul3A_2] : memref<4096xi32, #tpu.memory_space<hbm>> -> memref<128xi32, #tpu.memory_space<hbm>>
      tpu.enqueue_dma source(%dma_start3A_1091 : memref<128xi32, #tpu.memory_space<hbm>>) target(%arg7 : memref<128xi32, #tpu.memory_space<vmem>>) target_semaphore(%run_scoped3A : memref<!tpu.dma_semaphore, #tpu.memory_space<semaphore_mem>>)
      %dma_wait3A_1092 = tpu.memref_slice %arg3[%mul3A_2] : memref<4096xi32, #tpu.memory_space<hbm>> -> memref<128xi32, #tpu.memory_space<hbm>>
      %dma_wait3A_1093 = tpu.memref_slice %arg3[%mul3A_2] : memref<4096xi32, #tpu.memory_space<hbm>> -> memref<128xi32, #tpu.memory_space<hbm>>
      tpu.wait_dma2 semaphore(%run_scoped3A : memref<!tpu.dma_semaphore, #tpu.memory_space<semaphore_mem>>) src(%dma_wait3A_1093 : memref<128xi32, #tpu.memory_space<hbm>>) dst(%arg7 : memref<128xi32, #tpu.memory_space<vmem>>)
      tpu.yield
    }) : () -> ()
    "tpu.region"() ({
      %run_scoped3A = tpu.sem_alloc : memref<!tpu.dma_semaphore, #tpu.memory_space<semaphore_mem>>
      %dma_start3A_1090 = tpu.memref_slice %arg4[%mul3A_2] : memref<4096xf32, #tpu.memory_space<hbm>> -> memref<128xf32, #tpu.memory_space<hbm>>
      %dma_start3A_1091 = tpu.memref_slice %arg4[%mul3A_2] : memref<4096xf32, #tpu.memory_space<hbm>> -> memref<128xf32, #tpu.memory_space<hbm>>
      tpu.enqueue_dma source(%dma_start3A_1091 : memref<128xf32, #tpu.memory_space<hbm>>) target(%arg8 : memref<128xf32, #tpu.memory_space<vmem>>) target_semaphore(%run_scoped3A : memref<!tpu.dma_semaphore, #tpu.memory_space<semaphore_mem>>)
      %dma_wait3A_1092 = tpu.memref_slice %arg4[%mul3A_2] : memref<4096xf32, #tpu.memory_space<hbm>> -> memref<128xf32, #tpu.memory_space<hbm>>
      %dma_wait3A_1093 = tpu.memref_slice %arg4[%mul3A_2] : memref<4096xf32, #tpu.memory_space<hbm>> -> memref<128xf32, #tpu.memory_space<hbm>>
      tpu.wait_dma2 semaphore(%run_scoped3A : memref<!tpu.dma_semaphore, #tpu.memory_space<semaphore_mem>>) src(%dma_wait3A_1093 : memref<128xf32, #tpu.memory_space<hbm>>) dst(%arg8 : memref<128xf32, #tpu.memory_space<vmem>>)
      tpu.yield
    }) : () -> ()
    %mul3A_3 = arith.constant 2 : i32
    %mul3A_4 = arith.muli %mul3A_2, %mul3A_3 : i32
    "tpu.region"() ({
      %run_scoped3A = tpu.sem_alloc : memref<!tpu.dma_semaphore, #tpu.memory_space<semaphore_mem>>
      %dma_start3A_1090 = tpu.memref_slice %arg5[%mul3A_4] : memref<8192xf32, #tpu.memory_space<hbm>> -> memref<256xf32, #tpu.memory_space<hbm>>
      %dma_start3A_1091 = tpu.memref_slice %arg5[%mul3A_4] : memref<8192xf32, #tpu.memory_space<hbm>> -> memref<256xf32, #tpu.memory_space<hbm>>
      tpu.enqueue_dma source(%dma_start3A_1091 : memref<256xf32, #tpu.memory_space<hbm>>) target(%arg9 : memref<256xf32, #tpu.memory_space<vmem>>) target_semaphore(%run_scoped3A : memref<!tpu.dma_semaphore, #tpu.memory_space<semaphore_mem>>)
      %dma_wait3A_1092 = tpu.memref_slice %arg5[%mul3A_4] : memref<8192xf32, #tpu.memory_space<hbm>> -> memref<256xf32, #tpu.memory_space<hbm>>
      %dma_wait3A_1093 = tpu.memref_slice %arg5[%mul3A_4] : memref<8192xf32, #tpu.memory_space<hbm>> -> memref<256xf32, #tpu.memory_space<hbm>>
      tpu.wait_dma2 semaphore(%run_scoped3A : memref<!tpu.dma_semaphore, #tpu.memory_space<semaphore_mem>>) src(%dma_wait3A_1093 : memref<256xf32, #tpu.memory_space<hbm>>) dst(%arg9 : memref<256xf32, #tpu.memory_space<vmem>>)
      tpu.yield
    }) : () -> ()
    %jit3A = arith.constant 256 : i32
    %div3A = arith.divsi %mul3A_2, %jit3A : i32
    %sign3A = arith.constant 0 : i32
    %sign3A_5 = arith.cmpi sgt, %mul3A_2, %sign3A : i32
    %sign3A_6 = arith.extui %sign3A_5 : i1 to i32
    %sign3A_7 = arith.constant 0 : i32
    %sign3A_8 = arith.cmpi slt, %mul3A_2, %sign3A_7 : i32
    %sign3A_9 = arith.extui %sign3A_8 : i1 to i32
    %sign3A_10 = arith.subi %sign3A_6, %sign3A_9 : i32
    %sign3A_11 = arith.constant 0 : i32
    %sign3A_12 = arith.cmpi sgt, %jit3A, %sign3A_11 : i32
    %sign3A_13 = arith.extui %sign3A_12 : i1 to i32
    %sign3A_14 = arith.constant 0 : i32
    %sign3A_15 = arith.cmpi slt, %jit3A, %sign3A_14 : i32
    %sign3A_16 = arith.extui %sign3A_15 : i1 to i32
    %sign3A_17 = arith.subi %sign3A_13, %sign3A_16 : i32
    %ne3A = arith.cmpi ne, %sign3A_10, %sign3A_17 : i32
    %rem3A = arith.remsi %mul3A_2, %jit3A : i32
    %ne3A_18 = arith.constant 0 : i32
    %ne3A_19 = arith.cmpi ne, %rem3A, %ne3A_18 : i32
    %and3A = arith.andi %ne3A, %ne3A_19 : i1
    %sub3A = arith.constant 1 : i32
    %sub3A_20 = arith.subi %div3A, %sub3A : i32
    %select_n3A = arith.select %and3A, %sub3A_20, %div3A : i32
    %iota3A = tpu.iota {dimensions = array<i32: 0>} : vector<16xi32>
    %add3A_21 = arith.constant 0 : i32
    %add3A_22 = vector.broadcast %add3A_21 : i32 to vector<16xi32>
    %add3A_23 = arith.addi %iota3A, %add3A_22 : vector<16xi32>
    %shift_right_arithmetic3A = arith.constant 1 : i32
    %shift_right_arithmetic3A_24 = vector.broadcast %shift_right_arithmetic3A : i32 to vector<16xi32>
    %shift_right_arithmetic3A_25 = arith.shrsi %add3A_23, %shift_right_arithmetic3A_24 : vector<16xi32>
    %and3A_26 = arith.constant 1 : i32
    %and3A_27 = vector.broadcast %and3A_26 : i32 to vector<16xi32>
    %and3A_28 = arith.andi %add3A_23, %and3A_27 : vector<16xi32>
    %gather3A = tpu.vector_load_idx %arg7[%shift_right_arithmetic3A_25] : memref<128xi32, #tpu.memory_space<vmem>>[vector<16xi32>], vector<16xi32>,
    %mul3A_29 = arith.constant 2 : i32
    %mul3A_30 = arith.muli %select_n3A, %mul3A_29 : i32
    %add3A_31 = vector.broadcast %mul3A_30 : i32 to vector<16xi32>
    %add3A_32 = arith.addi %add3A_31, %and3A_28 : vector<16xi32>
    %mul3A_33 = arith.constant 512 : i32
    %mul3A_34 = vector.broadcast %mul3A_33 : i32 to vector<16xi32>
    %mul3A_35 = arith.muli %add3A_32, %mul3A_34 : vector<16xi32>
    %shift_right_arithmetic3A_36 = arith.constant 9 : i32
    %shift_right_arithmetic3A_37 = vector.broadcast %shift_right_arithmetic3A_36 : i32 to vector<16xi32>
    %shift_right_arithmetic3A_38 = arith.shrsi %gather3A, %shift_right_arithmetic3A_37 : vector<16xi32>
    %add3A_39 = arith.addi %mul3A_35, %shift_right_arithmetic3A_38 : vector<16xi32>
    %swap3A = arith.constant 0 : index
    %swap3A_40 = tpu.vector_load %arg10[%swap3A] {strides = array<i32>} : memref<256xi32, #tpu.memory_space<vmem>>, vector<16xi32>,
    tpu.vector_store %arg10[%swap3A], %add3A_39 {strides = array<i32>} : memref<256xi32, #tpu.memory_space<vmem>>, vector<16xi32>,
    %and3A_41 = arith.constant 511 : i32
    %and3A_42 = vector.broadcast %and3A_41 : i32 to vector<16xi32>
    %and3A_43 = arith.andi %gather3A, %and3A_42 : vector<16xi32>
    %swap3A_44 = arith.constant 0 : index
    %swap3A_45 = tpu.vector_load %arg11[%swap3A_44] {strides = array<i32>} : memref<256xi32, #tpu.memory_space<vmem>>, vector<16xi32>,
    tpu.vector_store %arg11[%swap3A_44], %and3A_43 {strides = array<i32>} : memref<256xi32, #tpu.memory_space<vmem>>, vector<16xi32>,
    %iota3A_46 = tpu.iota {dimensions = array<i32: 0>} : vector<16xi32>
    %add3A_47 = arith.constant 16 : i32
    %add3A_48 = vector.broadcast %add3A_47 : i32 to vector<16xi32>
    %add3A_49 = arith.addi %iota3A_46, %add3A_48 : vector<16xi32>
    %shift_right_arithmetic3A_50 = arith.constant 1 : i32
    %shift_right_arithmetic3A_51 = vector.broadcast %shift_right_arithmetic3A_50 : i32 to vector<16xi32>
    %shift_right_arithmetic3A_52 = arith.shrsi %add3A_49, %shift_right_arithmetic3A_51 : vector<16xi32>
    %and3A_53 = arith.constant 1 : i32
    %and3A_54 = vector.broadcast %and3A_53 : i32 to vector<16xi32>
    %and3A_55 = arith.andi %add3A_49, %and3A_54 : vector<16xi32>
    %gather3A_56 = tpu.vector_load_idx %arg7[%shift_right_arithmetic3A_52] : memref<128xi32, #tpu.memory_space<vmem>>[vector<16xi32>], vector<16xi32>,
    %mul3A_57 = arith.constant 2 : i32
    %mul3A_58 = arith.muli %select_n3A, %mul3A_57 : i32
    %add3A_59 = vector.broadcast %mul3A_58 : i32 to vector<16xi32>
    %add3A_60 = arith.addi %add3A_59, %and3A_55 : vector<16xi32>
    %mul3A_61 = arith.constant 512 : i32
    %mul3A_62 = vector.broadcast %mul3A_61 : i32 to vector<16xi32>
    %mul3A_63 = arith.muli %add3A_60, %mul3A_62 : vector<16xi32>
    %shift_right_arithmetic3A_64 = arith.constant 9 : i32
    %shift_right_arithmetic3A_65 = vector.broadcast %shift_right_arithmetic3A_64 : i32 to vector<16xi32>
    %shift_right_arithmetic3A_66 = arith.shrsi %gather3A_56, %shift_right_arithmetic3A_65 : vector<16xi32>
    %add3A_67 = arith.addi %mul3A_63, %shift_right_arithmetic3A_66 : vector<16xi32>
    %swap3A_68 = arith.constant 16 : index
    %swap3A_69 = tpu.vector_load %arg10[%swap3A_68] {strides = array<i32>} : memref<256xi32, #tpu.memory_space<vmem>>, vector<16xi32>,
    tpu.vector_store %arg10[%swap3A_68], %add3A_67 {strides = array<i32>} : memref<256xi32, #tpu.memory_space<vmem>>, vector<16xi32>,
    %and3A_70 = arith.constant 511 : i32
    %and3A_71 = vector.broadcast %and3A_70 : i32 to vector<16xi32>
    %and3A_72 = arith.andi %gather3A_56, %and3A_71 : vector<16xi32>
    %swap3A_73 = arith.constant 16 : index
    %swap3A_74 = tpu.vector_load %arg11[%swap3A_73] {strides = array<i32>} : memref<256xi32, #tpu.memory_space<vmem>>, vector<16xi32>,
    tpu.vector_store %arg11[%swap3A_73], %and3A_72 {strides = array<i32>} : memref<256xi32, #tpu.memory_space<vmem>>, vector<16xi32>,
    %iota3A_75 = tpu.iota {dimensions = array<i32: 0>} : vector<16xi32>
    %add3A_76 = arith.constant 32 : i32
    %add3A_77 = vector.broadcast %add3A_76 : i32 to vector<16xi32>
    %add3A_78 = arith.addi %iota3A_75, %add3A_77 : vector<16xi32>
    %shift_right_arithmetic3A_79 = arith.constant 1 : i32
    %shift_right_arithmetic3A_80 = vector.broadcast %shift_right_arithmetic3A_79 : i32 to vector<16xi32>
    %shift_right_arithmetic3A_81 = arith.shrsi %add3A_78, %shift_right_arithmetic3A_80 : vector<16xi32>
    %and3A_82 = arith.constant 1 : i32
    %and3A_83 = vector.broadcast %and3A_82 : i32 to vector<16xi32>
    %and3A_84 = arith.andi %add3A_78, %and3A_83 : vector<16xi32>
    %gather3A_85 = tpu.vector_load_idx %arg7[%shift_right_arithmetic3A_81] : memref<128xi32, #tpu.memory_space<vmem>>[vector<16xi32>], vector<16xi32>,
    %mul3A_86 = arith.constant 2 : i32
    %mul3A_87 = arith.muli %select_n3A, %mul3A_86 : i32
    %add3A_88 = vector.broadcast %mul3A_87 : i32 to vector<16xi32>
    %add3A_89 = arith.addi %add3A_88, %and3A_84 : vector<16xi32>
    %mul3A_90 = arith.constant 512 : i32
    %mul3A_91 = vector.broadcast %mul3A_90 : i32 to vector<16xi32>
    %mul3A_92 = arith.muli %add3A_89, %mul3A_91 : vector<16xi32>
    %shift_right_arithmetic3A_93 = arith.constant 9 : i32
    %shift_right_arithmetic3A_94 = vector.broadcast %shift_right_arithmetic3A_93 : i32 to vector<16xi32>
    %shift_right_arithmetic3A_95 = arith.shrsi %gather3A_85, %shift_right_arithmetic3A_94 : vector<16xi32>
    %add3A_96 = arith.addi %mul3A_92, %shift_right_arithmetic3A_95 : vector<16xi32>
    %swap3A_97 = arith.constant 32 : index
    %swap3A_98 = tpu.vector_load %arg10[%swap3A_97] {strides = array<i32>} : memref<256xi32, #tpu.memory_space<vmem>>, vector<16xi32>,
    tpu.vector_store %arg10[%swap3A_97], %add3A_96 {strides = array<i32>} : memref<256xi32, #tpu.memory_space<vmem>>, vector<16xi32>,
    %and3A_99 = arith.constant 511 : i32
    %and3A_100 = vector.broadcast %and3A_99 : i32 to vector<16xi32>
    %and3A_101 = arith.andi %gather3A_85, %and3A_100 : vector<16xi32>
    %swap3A_102 = arith.constant 32 : index
    %swap3A_103 = tpu.vector_load %arg11[%swap3A_102] {strides = array<i32>} : memref<256xi32, #tpu.memory_space<vmem>>, vector<16xi32>,
    tpu.vector_store %arg11[%swap3A_102], %and3A_101 {strides = array<i32>} : memref<256xi32, #tpu.memory_space<vmem>>, vector<16xi32>,
    %iota3A_104 = tpu.iota {dimensions = array<i32: 0>} : vector<16xi32>
    %add3A_105 = arith.constant 48 : i32
    %add3A_106 = vector.broadcast %add3A_105 : i32 to vector<16xi32>
    %add3A_107 = arith.addi %iota3A_104, %add3A_106 : vector<16xi32>
    %shift_right_arithmetic3A_108 = arith.constant 1 : i32
    %shift_right_arithmetic3A_109 = vector.broadcast %shift_right_arithmetic3A_108 : i32 to vector<16xi32>
    %shift_right_arithmetic3A_110 = arith.shrsi %add3A_107, %shift_right_arithmetic3A_109 : vector<16xi32>
    %and3A_111 = arith.constant 1 : i32
    %and3A_112 = vector.broadcast %and3A_111 : i32 to vector<16xi32>
    %and3A_113 = arith.andi %add3A_107, %and3A_112 : vector<16xi32>
    %gather3A_114 = tpu.vector_load_idx %arg7[%shift_right_arithmetic3A_110] : memref<128xi32, #tpu.memory_space<vmem>>[vector<16xi32>], vector<16xi32>,
    %mul3A_115 = arith.constant 2 : i32
    %mul3A_116 = arith.muli %select_n3A, %mul3A_115 : i32
    %add3A_117 = vector.broadcast %mul3A_116 : i32 to vector<16xi32>
    %add3A_118 = arith.addi %add3A_117, %and3A_113 : vector<16xi32>
    %mul3A_119 = arith.constant 512 : i32
    %mul3A_120 = vector.broadcast %mul3A_119 : i32 to vector<16xi32>
    %mul3A_121 = arith.muli %add3A_118, %mul3A_120 : vector<16xi32>
    %shift_right_arithmetic3A_122 = arith.constant 9 : i32
    %shift_right_arithmetic3A_123 = vector.broadcast %shift_right_arithmetic3A_122 : i32 to vector<16xi32>
    %shift_right_arithmetic3A_124 = arith.shrsi %gather3A_114, %shift_right_arithmetic3A_123 : vector<16xi32>
    %add3A_125 = arith.addi %mul3A_121, %shift_right_arithmetic3A_124 : vector<16xi32>
    %swap3A_126 = arith.constant 48 : index
    %swap3A_127 = tpu.vector_load %arg10[%swap3A_126] {strides = array<i32>} : memref<256xi32, #tpu.memory_space<vmem>>, vector<16xi32>,
    tpu.vector_store %arg10[%swap3A_126], %add3A_125 {strides = array<i32>} : memref<256xi32, #tpu.memory_space<vmem>>, vector<16xi32>,
    %and3A_128 = arith.constant 511 : i32
    %and3A_129 = vector.broadcast %and3A_128 : i32 to vector<16xi32>
    %and3A_130 = arith.andi %gather3A_114, %and3A_129 : vector<16xi32>
    %swap3A_131 = arith.constant 48 : index
    %swap3A_132 = tpu.vector_load %arg11[%swap3A_131] {strides = array<i32>} : memref<256xi32, #tpu.memory_space<vmem>>, vector<16xi32>,
    tpu.vector_store %arg11[%swap3A_131], %and3A_130 {strides = array<i32>} : memref<256xi32, #tpu.memory_space<vmem>>, vector<16xi32>,
    %iota3A_133 = tpu.iota {dimensions = array<i32: 0>} : vector<16xi32>
    %add3A_134 = arith.constant 64 : i32
    %add3A_135 = vector.broadcast %add3A_134 : i32 to vector<16xi32>
    %add3A_136 = arith.addi %iota3A_133, %add3A_135 : vector<16xi32>
    %shift_right_arithmetic3A_137 = arith.constant 1 : i32
    %shift_right_arithmetic3A_138 = vector.broadcast %shift_right_arithmetic3A_137 : i32 to vector<16xi32>
    %shift_right_arithmetic3A_139 = arith.shrsi %add3A_136, %shift_right_arithmetic3A_138 : vector<16xi32>
    %and3A_140 = arith.constant 1 : i32
    %and3A_141 = vector.broadcast %and3A_140 : i32 to vector<16xi32>
    %and3A_142 = arith.andi %add3A_136, %and3A_141 : vector<16xi32>
    %gather3A_143 = tpu.vector_load_idx %arg7[%shift_right_arithmetic3A_139] : memref<128xi32, #tpu.memory_space<vmem>>[vector<16xi32>], vector<16xi32>,
    %mul3A_144 = arith.constant 2 : i32
    %mul3A_145 = arith.muli %select_n3A, %mul3A_144 : i32
    %add3A_146 = vector.broadcast %mul3A_145 : i32 to vector<16xi32>
    %add3A_147 = arith.addi %add3A_146, %and3A_142 : vector<16xi32>
    %mul3A_148 = arith.constant 512 : i32
    %mul3A_149 = vector.broadcast %mul3A_148 : i32 to vector<16xi32>
    %mul3A_150 = arith.muli %add3A_147, %mul3A_149 : vector<16xi32>
    %shift_right_arithmetic3A_151 = arith.constant 9 : i32
    %shift_right_arithmetic3A_152 = vector.broadcast %shift_right_arithmetic3A_151 : i32 to vector<16xi32>
    %shift_right_arithmetic3A_153 = arith.shrsi %gather3A_143, %shift_right_arithmetic3A_152 : vector<16xi32>
    %add3A_154 = arith.addi %mul3A_150, %shift_right_arithmetic3A_153 : vector<16xi32>
    %swap3A_155 = arith.constant 64 : index
    %swap3A_156 = tpu.vector_load %arg10[%swap3A_155] {strides = array<i32>} : memref<256xi32, #tpu.memory_space<vmem>>, vector<16xi32>,
    tpu.vector_store %arg10[%swap3A_155], %add3A_154 {strides = array<i32>} : memref<256xi32, #tpu.memory_space<vmem>>, vector<16xi32>,
    %and3A_157 = arith.constant 511 : i32
    %and3A_158 = vector.broadcast %and3A_157 : i32 to vector<16xi32>
    %and3A_159 = arith.andi %gather3A_143, %and3A_158 : vector<16xi32>
    %swap3A_160 = arith.constant 64 : index
    %swap3A_161 = tpu.vector_load %arg11[%swap3A_160] {strides = array<i32>} : memref<256xi32, #tpu.memory_space<vmem>>, vector<16xi32>,
    tpu.vector_store %arg11[%swap3A_160], %and3A_159 {strides = array<i32>} : memref<256xi32, #tpu.memory_space<vmem>>, vector<16xi32>,
    %iota3A_162 = tpu.iota {dimensions = array<i32: 0>} : vector<16xi32>
    %add3A_163 = arith.constant 80 : i32
    %add3A_164 = vector.broadcast %add3A_163 : i32 to vector<16xi32>
    %add3A_165 = arith.addi %iota3A_162, %add3A_164 : vector<16xi32>
    %shift_right_arithmetic3A_166 = arith.constant 1 : i32
    %shift_right_arithmetic3A_167 = vector.broadcast %shift_right_arithmetic3A_166 : i32 to vector<16xi32>
    %shift_right_arithmetic3A_168 = arith.shrsi %add3A_165, %shift_right_arithmetic3A_167 : vector<16xi32>
    %and3A_169 = arith.constant 1 : i32
    %and3A_170 = vector.broadcast %and3A_169 : i32 to vector<16xi32>
    %and3A_171 = arith.andi %add3A_165, %and3A_170 : vector<16xi32>
    %gather3A_172 = tpu.vector_load_idx %arg7[%shift_right_arithmetic3A_168] : memref<128xi32, #tpu.memory_space<vmem>>[vector<16xi32>], vector<16xi32>,
    %mul3A_173 = arith.constant 2 : i32
    %mul3A_174 = arith.muli %select_n3A, %mul3A_173 : i32
    %add3A_175 = vector.broadcast %mul3A_174 : i32 to vector<16xi32>
    %add3A_176 = arith.addi %add3A_175, %and3A_171 : vector<16xi32>
    %mul3A_177 = arith.constant 512 : i32
    %mul3A_178 = vector.broadcast %mul3A_177 : i32 to vector<16xi32>
    %mul3A_179 = arith.muli %add3A_176, %mul3A_178 : vector<16xi32>
    %shift_right_arithmetic3A_180 = arith.constant 9 : i32
    %shift_right_arithmetic3A_181 = vector.broadcast %shift_right_arithmetic3A_180 : i32 to vector<16xi32>
    %shift_right_arithmetic3A_182 = arith.shrsi %gather3A_172, %shift_right_arithmetic3A_181 : vector<16xi32>
    %add3A_183 = arith.addi %mul3A_179, %shift_right_arithmetic3A_182 : vector<16xi32>
    %swap3A_184 = arith.constant 80 : index
    %swap3A_185 = tpu.vector_load %arg10[%swap3A_184] {strides = array<i32>} : memref<256xi32, #tpu.memory_space<vmem>>, vector<16xi32>,
    tpu.vector_store %arg10[%swap3A_184], %add3A_183 {strides = array<i32>} : memref<256xi32, #tpu.memory_space<vmem>>, vector<16xi32>,
    %and3A_186 = arith.constant 511 : i32
    %and3A_187 = vector.broadcast %and3A_186 : i32 to vector<16xi32>
    %and3A_188 = arith.andi %gather3A_172, %and3A_187 : vector<16xi32>
    %swap3A_189 = arith.constant 80 : index
    %swap3A_190 = tpu.vector_load %arg11[%swap3A_189] {strides = array<i32>} : memref<256xi32, #tpu.memory_space<vmem>>, vector<16xi32>,
    tpu.vector_store %arg11[%swap3A_189], %and3A_188 {strides = array<i32>} : memref<256xi32, #tpu.memory_space<vmem>>, vector<16xi32>,
    %iota3A_191 = tpu.iota {dimensions = array<i32: 0>} : vector<16xi32>
    %add3A_192 = arith.constant 96 : i32
    %add3A_193 = vector.broadcast %add3A_192 : i32 to vector<16xi32>
    %add3A_194 = arith.addi %iota3A_191, %add3A_193 : vector<16xi32>
    %shift_right_arithmetic3A_195 = arith.constant 1 : i32
    %shift_right_arithmetic3A_196 = vector.broadcast %shift_right_arithmetic3A_195 : i32 to vector<16xi32>
    %shift_right_arithmetic3A_197 = arith.shrsi %add3A_194, %shift_right_arithmetic3A_196 : vector<16xi32>
    %and3A_198 = arith.constant 1 : i32
    %and3A_199 = vector.broadcast %and3A_198 : i32 to vector<16xi32>
    %and3A_200 = arith.andi %add3A_194, %and3A_199 : vector<16xi32>
    %gather3A_201 = tpu.vector_load_idx %arg7[%shift_right_arithmetic3A_197] : memref<128xi32, #tpu.memory_space<vmem>>[vector<16xi32>], vector<16xi32>,
    %mul3A_202 = arith.constant 2 : i32
    %mul3A_203 = arith.muli %select_n3A, %mul3A_202 : i32
    %add3A_204 = vector.broadcast %mul3A_203 : i32 to vector<16xi32>
    %add3A_205 = arith.addi %add3A_204, %and3A_200 : vector<16xi32>
    %mul3A_206 = arith.constant 512 : i32
    %mul3A_207 = vector.broadcast %mul3A_206 : i32 to vector<16xi32>
    %mul3A_208 = arith.muli %add3A_205, %mul3A_207 : vector<16xi32>
    %shift_right_arithmetic3A_209 = arith.constant 9 : i32
    %shift_right_arithmetic3A_210 = vector.broadcast %shift_right_arithmetic3A_209 : i32 to vector<16xi32>
    %shift_right_arithmetic3A_211 = arith.shrsi %gather3A_201, %shift_right_arithmetic3A_210 : vector<16xi32>
    %add3A_212 = arith.addi %mul3A_208, %shift_right_arithmetic3A_211 : vector<16xi32>
    %swap3A_213 = arith.constant 96 : index
    %swap3A_214 = tpu.vector_load %arg10[%swap3A_213] {strides = array<i32>} : memref<256xi32, #tpu.memory_space<vmem>>, vector<16xi32>,
    tpu.vector_store %arg10[%swap3A_213], %add3A_212 {strides = array<i32>} : memref<256xi32, #tpu.memory_space<vmem>>, vector<16xi32>,
    %and3A_215 = arith.constant 511 : i32
    %and3A_216 = vector.broadcast %and3A_215 : i32 to vector<16xi32>
    %and3A_217 = arith.andi %gather3A_201, %and3A_216 : vector<16xi32>
    %swap3A_218 = arith.constant 96 : index
    %swap3A_219 = tpu.vector_load %arg11[%swap3A_218] {strides = array<i32>} : memref<256xi32, #tpu.memory_space<vmem>>, vector<16xi32>,
    tpu.vector_store %arg11[%swap3A_218], %and3A_217 {strides = array<i32>} : memref<256xi32, #tpu.memory_space<vmem>>, vector<16xi32>,
    %iota3A_220 = tpu.iota {dimensions = array<i32: 0>} : vector<16xi32>
    %add3A_221 = arith.constant 112 : i32
    %add3A_222 = vector.broadcast %add3A_221 : i32 to vector<16xi32>
    %add3A_223 = arith.addi %iota3A_220, %add3A_222 : vector<16xi32>
    %shift_right_arithmetic3A_224 = arith.constant 1 : i32
    %shift_right_arithmetic3A_225 = vector.broadcast %shift_right_arithmetic3A_224 : i32 to vector<16xi32>
    %shift_right_arithmetic3A_226 = arith.shrsi %add3A_223, %shift_right_arithmetic3A_225 : vector<16xi32>
    %and3A_227 = arith.constant 1 : i32
    %and3A_228 = vector.broadcast %and3A_227 : i32 to vector<16xi32>
    %and3A_229 = arith.andi %add3A_223, %and3A_228 : vector<16xi32>
    %gather3A_230 = tpu.vector_load_idx %arg7[%shift_right_arithmetic3A_226] : memref<128xi32, #tpu.memory_space<vmem>>[vector<16xi32>], vector<16xi32>,
    %mul3A_231 = arith.constant 2 : i32
    %mul3A_232 = arith.muli %select_n3A, %mul3A_231 : i32
    %add3A_233 = vector.broadcast %mul3A_232 : i32 to vector<16xi32>
    %add3A_234 = arith.addi %add3A_233, %and3A_229 : vector<16xi32>
    %mul3A_235 = arith.constant 512 : i32
    %mul3A_236 = vector.broadcast %mul3A_235 : i32 to vector<16xi32>
    %mul3A_237 = arith.muli %add3A_234, %mul3A_236 : vector<16xi32>
    %shift_right_arithmetic3A_238 = arith.constant 9 : i32
    %shift_right_arithmetic3A_239 = vector.broadcast %shift_right_arithmetic3A_238 : i32 to vector<16xi32>
    %shift_right_arithmetic3A_240 = arith.shrsi %gather3A_230, %shift_right_arithmetic3A_239 : vector<16xi32>
    %add3A_241 = arith.addi %mul3A_237, %shift_right_arithmetic3A_240 : vector<16xi32>
    %swap3A_242 = arith.constant 112 : index
    %swap3A_243 = tpu.vector_load %arg10[%swap3A_242] {strides = array<i32>} : memref<256xi32, #tpu.memory_space<vmem>>, vector<16xi32>,
    tpu.vector_store %arg10[%swap3A_242], %add3A_241 {strides = array<i32>} : memref<256xi32, #tpu.memory_space<vmem>>, vector<16xi32>,
    %and3A_244 = arith.constant 511 : i32
    %and3A_245 = vector.broadcast %and3A_244 : i32 to vector<16xi32>
    %and3A_246 = arith.andi %gather3A_230, %and3A_245 : vector<16xi32>
    %swap3A_247 = arith.constant 112 : index
    %swap3A_248 = tpu.vector_load %arg11[%swap3A_247] {strides = array<i32>} : memref<256xi32, #tpu.memory_space<vmem>>, vector<16xi32>,
    tpu.vector_store %arg11[%swap3A_247], %and3A_246 {strides = array<i32>} : memref<256xi32, #tpu.memory_space<vmem>>, vector<16xi32>,
    %iota3A_249 = tpu.iota {dimensions = array<i32: 0>} : vector<16xi32>
    %add3A_250 = arith.constant 128 : i32
    %add3A_251 = vector.broadcast %add3A_250 : i32 to vector<16xi32>
    %add3A_252 = arith.addi %iota3A_249, %add3A_251 : vector<16xi32>
    %shift_right_arithmetic3A_253 = arith.constant 1 : i32
    %shift_right_arithmetic3A_254 = vector.broadcast %shift_right_arithmetic3A_253 : i32 to vector<16xi32>
    %shift_right_arithmetic3A_255 = arith.shrsi %add3A_252, %shift_right_arithmetic3A_254 : vector<16xi32>
    %and3A_256 = arith.constant 1 : i32
    %and3A_257 = vector.broadcast %and3A_256 : i32 to vector<16xi32>
    %and3A_258 = arith.andi %add3A_252, %and3A_257 : vector<16xi32>
    %gather3A_259 = tpu.vector_load_idx %arg7[%shift_right_arithmetic3A_255] : memref<128xi32, #tpu.memory_space<vmem>>[vector<16xi32>], vector<16xi32>,
    %mul3A_260 = arith.constant 2 : i32
    %mul3A_261 = arith.muli %select_n3A, %mul3A_260 : i32
    %add3A_262 = vector.broadcast %mul3A_261 : i32 to vector<16xi32>
    %add3A_263 = arith.addi %add3A_262, %and3A_258 : vector<16xi32>
    %mul3A_264 = arith.constant 512 : i32
    %mul3A_265 = vector.broadcast %mul3A_264 : i32 to vector<16xi32>
    %mul3A_266 = arith.muli %add3A_263, %mul3A_265 : vector<16xi32>
    %shift_right_arithmetic3A_267 = arith.constant 9 : i32
    %shift_right_arithmetic3A_268 = vector.broadcast %shift_right_arithmetic3A_267 : i32 to vector<16xi32>
    %shift_right_arithmetic3A_269 = arith.shrsi %gather3A_259, %shift_right_arithmetic3A_268 : vector<16xi32>
    %add3A_270 = arith.addi %mul3A_266, %shift_right_arithmetic3A_269 : vector<16xi32>
    %swap3A_271 = arith.constant 128 : index
    %swap3A_272 = tpu.vector_load %arg10[%swap3A_271] {strides = array<i32>} : memref<256xi32, #tpu.memory_space<vmem>>, vector<16xi32>,
    tpu.vector_store %arg10[%swap3A_271], %add3A_270 {strides = array<i32>} : memref<256xi32, #tpu.memory_space<vmem>>, vector<16xi32>,
    %and3A_273 = arith.constant 511 : i32
    %and3A_274 = vector.broadcast %and3A_273 : i32 to vector<16xi32>
    %and3A_275 = arith.andi %gather3A_259, %and3A_274 : vector<16xi32>
    %swap3A_276 = arith.constant 128 : index
    %swap3A_277 = tpu.vector_load %arg11[%swap3A_276] {strides = array<i32>} : memref<256xi32, #tpu.memory_space<vmem>>, vector<16xi32>,
    tpu.vector_store %arg11[%swap3A_276], %and3A_275 {strides = array<i32>} : memref<256xi32, #tpu.memory_space<vmem>>, vector<16xi32>,
    %iota3A_278 = tpu.iota {dimensions = array<i32: 0>} : vector<16xi32>
    %add3A_279 = arith.constant 144 : i32
    %add3A_280 = vector.broadcast %add3A_279 : i32 to vector<16xi32>
    %add3A_281 = arith.addi %iota3A_278, %add3A_280 : vector<16xi32>
    %shift_right_arithmetic3A_282 = arith.constant 1 : i32
    %shift_right_arithmetic3A_283 = vector.broadcast %shift_right_arithmetic3A_282 : i32 to vector<16xi32>
    %shift_right_arithmetic3A_284 = arith.shrsi %add3A_281, %shift_right_arithmetic3A_283 : vector<16xi32>
    %and3A_285 = arith.constant 1 : i32
    %and3A_286 = vector.broadcast %and3A_285 : i32 to vector<16xi32>
    %and3A_287 = arith.andi %add3A_281, %and3A_286 : vector<16xi32>
    %gather3A_288 = tpu.vector_load_idx %arg7[%shift_right_arithmetic3A_284] : memref<128xi32, #tpu.memory_space<vmem>>[vector<16xi32>], vector<16xi32>,
    %mul3A_289 = arith.constant 2 : i32
    %mul3A_290 = arith.muli %select_n3A, %mul3A_289 : i32
    %add3A_291 = vector.broadcast %mul3A_290 : i32 to vector<16xi32>
    %add3A_292 = arith.addi %add3A_291, %and3A_287 : vector<16xi32>
    %mul3A_293 = arith.constant 512 : i32
    %mul3A_294 = vector.broadcast %mul3A_293 : i32 to vector<16xi32>
    %mul3A_295 = arith.muli %add3A_292, %mul3A_294 : vector<16xi32>
    %shift_right_arithmetic3A_296 = arith.constant 9 : i32
    %shift_right_arithmetic3A_297 = vector.broadcast %shift_right_arithmetic3A_296 : i32 to vector<16xi32>
    %shift_right_arithmetic3A_298 = arith.shrsi %gather3A_288, %shift_right_arithmetic3A_297 : vector<16xi32>
    %add3A_299 = arith.addi %mul3A_295, %shift_right_arithmetic3A_298 : vector<16xi32>
    %swap3A_300 = arith.constant 144 : index
    %swap3A_301 = tpu.vector_load %arg10[%swap3A_300] {strides = array<i32>} : memref<256xi32, #tpu.memory_space<vmem>>, vector<16xi32>,
    tpu.vector_store %arg10[%swap3A_300], %add3A_299 {strides = array<i32>} : memref<256xi32, #tpu.memory_space<vmem>>, vector<16xi32>,
    %and3A_302 = arith.constant 511 : i32
    %and3A_303 = vector.broadcast %and3A_302 : i32 to vector<16xi32>
    %and3A_304 = arith.andi %gather3A_288, %and3A_303 : vector<16xi32>
    %swap3A_305 = arith.constant 144 : index
    %swap3A_306 = tpu.vector_load %arg11[%swap3A_305] {strides = array<i32>} : memref<256xi32, #tpu.memory_space<vmem>>, vector<16xi32>,
    tpu.vector_store %arg11[%swap3A_305], %and3A_304 {strides = array<i32>} : memref<256xi32, #tpu.memory_space<vmem>>, vector<16xi32>,
    %iota3A_307 = tpu.iota {dimensions = array<i32: 0>} : vector<16xi32>
    %add3A_308 = arith.constant 160 : i32
    %add3A_309 = vector.broadcast %add3A_308 : i32 to vector<16xi32>
    %add3A_310 = arith.addi %iota3A_307, %add3A_309 : vector<16xi32>
    %shift_right_arithmetic3A_311 = arith.constant 1 : i32
    %shift_right_arithmetic3A_312 = vector.broadcast %shift_right_arithmetic3A_311 : i32 to vector<16xi32>
    %shift_right_arithmetic3A_313 = arith.shrsi %add3A_310, %shift_right_arithmetic3A_312 : vector<16xi32>
    %and3A_314 = arith.constant 1 : i32
    %and3A_315 = vector.broadcast %and3A_314 : i32 to vector<16xi32>
    %and3A_316 = arith.andi %add3A_310, %and3A_315 : vector<16xi32>
    %gather3A_317 = tpu.vector_load_idx %arg7[%shift_right_arithmetic3A_313] : memref<128xi32, #tpu.memory_space<vmem>>[vector<16xi32>], vector<16xi32>,
    %mul3A_318 = arith.constant 2 : i32
    %mul3A_319 = arith.muli %select_n3A, %mul3A_318 : i32
    %add3A_320 = vector.broadcast %mul3A_319 : i32 to vector<16xi32>
    %add3A_321 = arith.addi %add3A_320, %and3A_316 : vector<16xi32>
    %mul3A_322 = arith.constant 512 : i32
    %mul3A_323 = vector.broadcast %mul3A_322 : i32 to vector<16xi32>
    %mul3A_324 = arith.muli %add3A_321, %mul3A_323 : vector<16xi32>
    %shift_right_arithmetic3A_325 = arith.constant 9 : i32
    %shift_right_arithmetic3A_326 = vector.broadcast %shift_right_arithmetic3A_325 : i32 to vector<16xi32>
    %shift_right_arithmetic3A_327 = arith.shrsi %gather3A_317, %shift_right_arithmetic3A_326 : vector<16xi32>
    %add3A_328 = arith.addi %mul3A_324, %shift_right_arithmetic3A_327 : vector<16xi32>
    %swap3A_329 = arith.constant 160 : index
    %swap3A_330 = tpu.vector_load %arg10[%swap3A_329] {strides = array<i32>} : memref<256xi32, #tpu.memory_space<vmem>>, vector<16xi32>,
    tpu.vector_store %arg10[%swap3A_329], %add3A_328 {strides = array<i32>} : memref<256xi32, #tpu.memory_space<vmem>>, vector<16xi32>,
    %and3A_331 = arith.constant 511 : i32
    %and3A_332 = vector.broadcast %and3A_331 : i32 to vector<16xi32>
    %and3A_333 = arith.andi %gather3A_317, %and3A_332 : vector<16xi32>
    %swap3A_334 = arith.constant 160 : index
    %swap3A_335 = tpu.vector_load %arg11[%swap3A_334] {strides = array<i32>} : memref<256xi32, #tpu.memory_space<vmem>>, vector<16xi32>,
    tpu.vector_store %arg11[%swap3A_334], %and3A_333 {strides = array<i32>} : memref<256xi32, #tpu.memory_space<vmem>>, vector<16xi32>,
    %iota3A_336 = tpu.iota {dimensions = array<i32: 0>} : vector<16xi32>
    %add3A_337 = arith.constant 176 : i32
    %add3A_338 = vector.broadcast %add3A_337 : i32 to vector<16xi32>
    %add3A_339 = arith.addi %iota3A_336, %add3A_338 : vector<16xi32>
    %shift_right_arithmetic3A_340 = arith.constant 1 : i32
    %shift_right_arithmetic3A_341 = vector.broadcast %shift_right_arithmetic3A_340 : i32 to vector<16xi32>
    %shift_right_arithmetic3A_342 = arith.shrsi %add3A_339, %shift_right_arithmetic3A_341 : vector<16xi32>
    %and3A_343 = arith.constant 1 : i32
    %and3A_344 = vector.broadcast %and3A_343 : i32 to vector<16xi32>
    %and3A_345 = arith.andi %add3A_339, %and3A_344 : vector<16xi32>
    %gather3A_346 = tpu.vector_load_idx %arg7[%shift_right_arithmetic3A_342] : memref<128xi32, #tpu.memory_space<vmem>>[vector<16xi32>], vector<16xi32>,
    %mul3A_347 = arith.constant 2 : i32
    %mul3A_348 = arith.muli %select_n3A, %mul3A_347 : i32
    %add3A_349 = vector.broadcast %mul3A_348 : i32 to vector<16xi32>
    %add3A_350 = arith.addi %add3A_349, %and3A_345 : vector<16xi32>
    %mul3A_351 = arith.constant 512 : i32
    %mul3A_352 = vector.broadcast %mul3A_351 : i32 to vector<16xi32>
    %mul3A_353 = arith.muli %add3A_350, %mul3A_352 : vector<16xi32>
    %shift_right_arithmetic3A_354 = arith.constant 9 : i32
    %shift_right_arithmetic3A_355 = vector.broadcast %shift_right_arithmetic3A_354 : i32 to vector<16xi32>
    %shift_right_arithmetic3A_356 = arith.shrsi %gather3A_346, %shift_right_arithmetic3A_355 : vector<16xi32>
    %add3A_357 = arith.addi %mul3A_353, %shift_right_arithmetic3A_356 : vector<16xi32>
    %swap3A_358 = arith.constant 176 : index
    %swap3A_359 = tpu.vector_load %arg10[%swap3A_358] {strides = array<i32>} : memref<256xi32, #tpu.memory_space<vmem>>, vector<16xi32>,
    tpu.vector_store %arg10[%swap3A_358], %add3A_357 {strides = array<i32>} : memref<256xi32, #tpu.memory_space<vmem>>, vector<16xi32>,
    %and3A_360 = arith.constant 511 : i32
    %and3A_361 = vector.broadcast %and3A_360 : i32 to vector<16xi32>
    %and3A_362 = arith.andi %gather3A_346, %and3A_361 : vector<16xi32>
    %swap3A_363 = arith.constant 176 : index
    %swap3A_364 = tpu.vector_load %arg11[%swap3A_363] {strides = array<i32>} : memref<256xi32, #tpu.memory_space<vmem>>, vector<16xi32>,
    tpu.vector_store %arg11[%swap3A_363], %and3A_362 {strides = array<i32>} : memref<256xi32, #tpu.memory_space<vmem>>, vector<16xi32>,
    %iota3A_365 = tpu.iota {dimensions = array<i32: 0>} : vector<16xi32>
    %add3A_366 = arith.constant 192 : i32
    %add3A_367 = vector.broadcast %add3A_366 : i32 to vector<16xi32>
    %add3A_368 = arith.addi %iota3A_365, %add3A_367 : vector<16xi32>
    %shift_right_arithmetic3A_369 = arith.constant 1 : i32
    %shift_right_arithmetic3A_370 = vector.broadcast %shift_right_arithmetic3A_369 : i32 to vector<16xi32>
    %shift_right_arithmetic3A_371 = arith.shrsi %add3A_368, %shift_right_arithmetic3A_370 : vector<16xi32>
    %and3A_372 = arith.constant 1 : i32
    %and3A_373 = vector.broadcast %and3A_372 : i32 to vector<16xi32>
    %and3A_374 = arith.andi %add3A_368, %and3A_373 : vector<16xi32>
    %gather3A_375 = tpu.vector_load_idx %arg7[%shift_right_arithmetic3A_371] : memref<128xi32, #tpu.memory_space<vmem>>[vector<16xi32>], vector<16xi32>,
    %mul3A_376 = arith.constant 2 : i32
    %mul3A_377 = arith.muli %select_n3A, %mul3A_376 : i32
    %add3A_378 = vector.broadcast %mul3A_377 : i32 to vector<16xi32>
    %add3A_379 = arith.addi %add3A_378, %and3A_374 : vector<16xi32>
    %mul3A_380 = arith.constant 512 : i32
    %mul3A_381 = vector.broadcast %mul3A_380 : i32 to vector<16xi32>
    %mul3A_382 = arith.muli %add3A_379, %mul3A_381 : vector<16xi32>
    %shift_right_arithmetic3A_383 = arith.constant 9 : i32
    %shift_right_arithmetic3A_384 = vector.broadcast %shift_right_arithmetic3A_383 : i32 to vector<16xi32>
    %shift_right_arithmetic3A_385 = arith.shrsi %gather3A_375, %shift_right_arithmetic3A_384 : vector<16xi32>
    %add3A_386 = arith.addi %mul3A_382, %shift_right_arithmetic3A_385 : vector<16xi32>
    %swap3A_387 = arith.constant 192 : index
    %swap3A_388 = tpu.vector_load %arg10[%swap3A_387] {strides = array<i32>} : memref<256xi32, #tpu.memory_space<vmem>>, vector<16xi32>,
    tpu.vector_store %arg10[%swap3A_387], %add3A_386 {strides = array<i32>} : memref<256xi32, #tpu.memory_space<vmem>>, vector<16xi32>,
    %and3A_389 = arith.constant 511 : i32
    %and3A_390 = vector.broadcast %and3A_389 : i32 to vector<16xi32>
    %and3A_391 = arith.andi %gather3A_375, %and3A_390 : vector<16xi32>
    %swap3A_392 = arith.constant 192 : index
    %swap3A_393 = tpu.vector_load %arg11[%swap3A_392] {strides = array<i32>} : memref<256xi32, #tpu.memory_space<vmem>>, vector<16xi32>,
    tpu.vector_store %arg11[%swap3A_392], %and3A_391 {strides = array<i32>} : memref<256xi32, #tpu.memory_space<vmem>>, vector<16xi32>,
    %iota3A_394 = tpu.iota {dimensions = array<i32: 0>} : vector<16xi32>
    %add3A_395 = arith.constant 208 : i32
    %add3A_396 = vector.broadcast %add3A_395 : i32 to vector<16xi32>
    %add3A_397 = arith.addi %iota3A_394, %add3A_396 : vector<16xi32>
    %shift_right_arithmetic3A_398 = arith.constant 1 : i32
    %shift_right_arithmetic3A_399 = vector.broadcast %shift_right_arithmetic3A_398 : i32 to vector<16xi32>
    %shift_right_arithmetic3A_400 = arith.shrsi %add3A_397, %shift_right_arithmetic3A_399 : vector<16xi32>
    %and3A_401 = arith.constant 1 : i32
    %and3A_402 = vector.broadcast %and3A_401 : i32 to vector<16xi32>
    %and3A_403 = arith.andi %add3A_397, %and3A_402 : vector<16xi32>
    %gather3A_404 = tpu.vector_load_idx %arg7[%shift_right_arithmetic3A_400] : memref<128xi32, #tpu.memory_space<vmem>>[vector<16xi32>], vector<16xi32>,
    %mul3A_405 = arith.constant 2 : i32
    %mul3A_406 = arith.muli %select_n3A, %mul3A_405 : i32
    %add3A_407 = vector.broadcast %mul3A_406 : i32 to vector<16xi32>
    %add3A_408 = arith.addi %add3A_407, %and3A_403 : vector<16xi32>
    %mul3A_409 = arith.constant 512 : i32
    %mul3A_410 = vector.broadcast %mul3A_409 : i32 to vector<16xi32>
    %mul3A_411 = arith.muli %add3A_408, %mul3A_410 : vector<16xi32>
    %shift_right_arithmetic3A_412 = arith.constant 9 : i32
    %shift_right_arithmetic3A_413 = vector.broadcast %shift_right_arithmetic3A_412 : i32 to vector<16xi32>
    %shift_right_arithmetic3A_414 = arith.shrsi %gather3A_404, %shift_right_arithmetic3A_413 : vector<16xi32>
    %add3A_415 = arith.addi %mul3A_411, %shift_right_arithmetic3A_414 : vector<16xi32>
    %swap3A_416 = arith.constant 208 : index
    %swap3A_417 = tpu.vector_load %arg10[%swap3A_416] {strides = array<i32>} : memref<256xi32, #tpu.memory_space<vmem>>, vector<16xi32>,
    tpu.vector_store %arg10[%swap3A_416], %add3A_415 {strides = array<i32>} : memref<256xi32, #tpu.memory_space<vmem>>, vector<16xi32>,
    %and3A_418 = arith.constant 511 : i32
    %and3A_419 = vector.broadcast %and3A_418 : i32 to vector<16xi32>
    %and3A_420 = arith.andi %gather3A_404, %and3A_419 : vector<16xi32>
    %swap3A_421 = arith.constant 208 : index
    %swap3A_422 = tpu.vector_load %arg11[%swap3A_421] {strides = array<i32>} : memref<256xi32, #tpu.memory_space<vmem>>, vector<16xi32>,
    tpu.vector_store %arg11[%swap3A_421], %and3A_420 {strides = array<i32>} : memref<256xi32, #tpu.memory_space<vmem>>, vector<16xi32>,
    %iota3A_423 = tpu.iota {dimensions = array<i32: 0>} : vector<16xi32>
    %add3A_424 = arith.constant 224 : i32
    %add3A_425 = vector.broadcast %add3A_424 : i32 to vector<16xi32>
    %add3A_426 = arith.addi %iota3A_423, %add3A_425 : vector<16xi32>
    %shift_right_arithmetic3A_427 = arith.constant 1 : i32
    %shift_right_arithmetic3A_428 = vector.broadcast %shift_right_arithmetic3A_427 : i32 to vector<16xi32>
    %shift_right_arithmetic3A_429 = arith.shrsi %add3A_426, %shift_right_arithmetic3A_428 : vector<16xi32>
    %and3A_430 = arith.constant 1 : i32
    %and3A_431 = vector.broadcast %and3A_430 : i32 to vector<16xi32>
    %and3A_432 = arith.andi %add3A_426, %and3A_431 : vector<16xi32>
    %gather3A_433 = tpu.vector_load_idx %arg7[%shift_right_arithmetic3A_429] : memref<128xi32, #tpu.memory_space<vmem>>[vector<16xi32>], vector<16xi32>,
    %mul3A_434 = arith.constant 2 : i32
    %mul3A_435 = arith.muli %select_n3A, %mul3A_434 : i32
    %add3A_436 = vector.broadcast %mul3A_435 : i32 to vector<16xi32>
    %add3A_437 = arith.addi %add3A_436, %and3A_432 : vector<16xi32>
    %mul3A_438 = arith.constant 512 : i32
    %mul3A_439 = vector.broadcast %mul3A_438 : i32 to vector<16xi32>
    %mul3A_440 = arith.muli %add3A_437, %mul3A_439 : vector<16xi32>
    %shift_right_arithmetic3A_441 = arith.constant 9 : i32
    %shift_right_arithmetic3A_442 = vector.broadcast %shift_right_arithmetic3A_441 : i32 to vector<16xi32>
    %shift_right_arithmetic3A_443 = arith.shrsi %gather3A_433, %shift_right_arithmetic3A_442 : vector<16xi32>
    %add3A_444 = arith.addi %mul3A_440, %shift_right_arithmetic3A_443 : vector<16xi32>
    %swap3A_445 = arith.constant 224 : index
    %swap3A_446 = tpu.vector_load %arg10[%swap3A_445] {strides = array<i32>} : memref<256xi32, #tpu.memory_space<vmem>>, vector<16xi32>,
    tpu.vector_store %arg10[%swap3A_445], %add3A_444 {strides = array<i32>} : memref<256xi32, #tpu.memory_space<vmem>>, vector<16xi32>,
    %and3A_447 = arith.constant 511 : i32
    %and3A_448 = vector.broadcast %and3A_447 : i32 to vector<16xi32>
    %and3A_449 = arith.andi %gather3A_433, %and3A_448 : vector<16xi32>
    %swap3A_450 = arith.constant 224 : index
    %swap3A_451 = tpu.vector_load %arg11[%swap3A_450] {strides = array<i32>} : memref<256xi32, #tpu.memory_space<vmem>>, vector<16xi32>,
    tpu.vector_store %arg11[%swap3A_450], %and3A_449 {strides = array<i32>} : memref<256xi32, #tpu.memory_space<vmem>>, vector<16xi32>,
    %iota3A_452 = tpu.iota {dimensions = array<i32: 0>} : vector<16xi32>
    %add3A_453 = arith.constant 240 : i32
    %add3A_454 = vector.broadcast %add3A_453 : i32 to vector<16xi32>
    %add3A_455 = arith.addi %iota3A_452, %add3A_454 : vector<16xi32>
    %shift_right_arithmetic3A_456 = arith.constant 1 : i32
    %shift_right_arithmetic3A_457 = vector.broadcast %shift_right_arithmetic3A_456 : i32 to vector<16xi32>
    %shift_right_arithmetic3A_458 = arith.shrsi %add3A_455, %shift_right_arithmetic3A_457 : vector<16xi32>
    %and3A_459 = arith.constant 1 : i32
    %and3A_460 = vector.broadcast %and3A_459 : i32 to vector<16xi32>
    %and3A_461 = arith.andi %add3A_455, %and3A_460 : vector<16xi32>
    %gather3A_462 = tpu.vector_load_idx %arg7[%shift_right_arithmetic3A_458] : memref<128xi32, #tpu.memory_space<vmem>>[vector<16xi32>], vector<16xi32>,
    %mul3A_463 = arith.constant 2 : i32
    %mul3A_464 = arith.muli %select_n3A, %mul3A_463 : i32
    %add3A_465 = vector.broadcast %mul3A_464 : i32 to vector<16xi32>
    %add3A_466 = arith.addi %add3A_465, %and3A_461 : vector<16xi32>
    %mul3A_467 = arith.constant 512 : i32
    %mul3A_468 = vector.broadcast %mul3A_467 : i32 to vector<16xi32>
    %mul3A_469 = arith.muli %add3A_466, %mul3A_468 : vector<16xi32>
    %shift_right_arithmetic3A_470 = arith.constant 9 : i32
    %shift_right_arithmetic3A_471 = vector.broadcast %shift_right_arithmetic3A_470 : i32 to vector<16xi32>
    %shift_right_arithmetic3A_472 = arith.shrsi %gather3A_462, %shift_right_arithmetic3A_471 : vector<16xi32>
    %add3A_473 = arith.addi %mul3A_469, %shift_right_arithmetic3A_472 : vector<16xi32>
    %swap3A_474 = arith.constant 240 : index
    %swap3A_475 = tpu.vector_load %arg10[%swap3A_474] {strides = array<i32>} : memref<256xi32, #tpu.memory_space<vmem>>, vector<16xi32>,
    tpu.vector_store %arg10[%swap3A_474], %add3A_473 {strides = array<i32>} : memref<256xi32, #tpu.memory_space<vmem>>, vector<16xi32>,
    %and3A_476 = arith.constant 511 : i32
    %and3A_477 = vector.broadcast %and3A_476 : i32 to vector<16xi32>
    %and3A_478 = arith.andi %gather3A_462, %and3A_477 : vector<16xi32>
    %swap3A_479 = arith.constant 240 : index
    %swap3A_480 = tpu.vector_load %arg11[%swap3A_479] {strides = array<i32>} : memref<256xi32, #tpu.memory_space<vmem>>, vector<16xi32>,
    tpu.vector_store %arg11[%swap3A_479], %and3A_478 {strides = array<i32>} : memref<256xi32, #tpu.memory_space<vmem>>, vector<16xi32>,
    %dma_start3A = arith.constant 0 : i32
    %dma_start3A_481 = tpu.memref_slice %arg10[%dma_start3A] : memref<256xi32, #tpu.memory_space<vmem>> -> memref<64xi32, #tpu.memory_space<vmem>>
    %dma_start3A_482 = arith.constant 0 : i32
    %dma_start3A_483 = arith.constant 0 : i32
    %dma_start3A_484 = tpu.memref_slice %arg2[%dma_start3A_482, %dma_start3A_483] : memref<16384x512xf32, #tpu.memory_space<hbm>> -> memref<16384x512xf32, #tpu.memory_space<hbm>>
    tpu.enqueue_indirect_dma source(%dma_start3A_484 : memref<16384x512xf32, #tpu.memory_space<hbm>>) target(%arg12 : memref<64x512xf32, #tpu.memory_space<vmem>>) offsets(%dma_start3A_481 : memref<64xi32, #tpu.memory_space<vmem>>) semaphore(%arg18 : memref<!tpu.dma_semaphore, #tpu.memory_space<semaphore_mem>>)
    %dma_wait3A = arith.constant 0 : i32
    %dma_wait3A_485 = tpu.memref_slice %arg10[%dma_wait3A] : memref<256xi32, #tpu.memory_space<vmem>> -> memref<64xi32, #tpu.memory_space<vmem>>
    %dma_wait3A_486 = arith.constant 0 : i32
    %dma_wait3A_487 = arith.constant 0 : i32
    %dma_wait3A_488 = tpu.memref_slice %arg2[%dma_wait3A_486, %dma_wait3A_487] : memref<16384x512xf32, #tpu.memory_space<hbm>> -> memref<16384x512xf32, #tpu.memory_space<hbm>>
    tpu.wait_indirect_dma semaphore(%arg18 : memref<!tpu.dma_semaphore, #tpu.memory_space<semaphore_mem>>) src(%dma_wait3A_488 : memref<16384x512xf32, #tpu.memory_space<hbm>>) dst(%arg12 : memref<64x512xf32, #tpu.memory_space<vmem>>)
    %dma_start3A_489 = arith.constant 64 : i32
    %dma_start3A_490 = tpu.memref_slice %arg10[%dma_start3A_489] : memref<256xi32, #tpu.memory_space<vmem>> -> memref<64xi32, #tpu.memory_space<vmem>>
    %dma_start3A_491 = arith.constant 0 : i32
    %dma_start3A_492 = arith.constant 0 : i32
    %dma_start3A_493 = tpu.memref_slice %arg2[%dma_start3A_491, %dma_start3A_492] : memref<16384x512xf32, #tpu.memory_space<hbm>> -> memref<16384x512xf32, #tpu.memory_space<hbm>>
    tpu.enqueue_indirect_dma source(%dma_start3A_493 : memref<16384x512xf32, #tpu.memory_space<hbm>>) target(%arg13 : memref<64x512xf32, #tpu.memory_space<vmem>>) offsets(%dma_start3A_490 : memref<64xi32, #tpu.memory_space<vmem>>) semaphore(%arg19 : memref<!tpu.dma_semaphore, #tpu.memory_space<semaphore_mem>>)
    %iota3A_494 = tpu.iota {dimensions = array<i32: 0>} : vector<16xi32>
    %add3A_495 = arith.constant 0 : i32
    %add3A_496 = vector.broadcast %add3A_495 : i32 to vector<16xi32>
    %add3A_497 = arith.addi %iota3A_494, %add3A_496 : vector<16xi32>
    %shift_right_arithmetic3A_498 = arith.constant 1 : i32
    %shift_right_arithmetic3A_499 = vector.broadcast %shift_right_arithmetic3A_498 : i32 to vector<16xi32>
    %shift_right_arithmetic3A_500 = arith.shrsi %add3A_497, %shift_right_arithmetic3A_499 : vector<16xi32>
    %iota3A_501 = tpu.iota {dimensions = array<i32: 0>} : vector<16xi32>
    %add3A_502 = arith.constant 0 : i32
    %add3A_503 = vector.broadcast %add3A_502 : i32 to vector<16xi32>
    %add3A_504 = arith.addi %iota3A_501, %add3A_503 : vector<16xi32>
    %get3A = arith.constant 0 : index
    %get3A_505 = tpu.vector_load %arg11[%get3A] {strides = array<i32>} : memref<256xi32, #tpu.memory_space<vmem>>, vector<16xi32>,
    %gather3A_506 = tpu.vector_load_idx %arg12[%add3A_504, %get3A_505] : memref<64x512xf32, #tpu.memory_space<vmem>>[vector<16xi32>, vector<16xi32>], vector<16xf32>,
    %gather3A_507 = tpu.vector_load_idx %arg8[%shift_right_arithmetic3A_500] : memref<128xf32, #tpu.memory_space<vmem>>[vector<16xi32>], vector<16xf32>,
    %get3A_508 = arith.constant 0 : index
    %get3A_509 = tpu.vector_load %arg9[%get3A_508] {strides = array<i32>} : memref<256xf32, #tpu.memory_space<vmem>>, vector<16xf32>,
    %mul3A_510 = arith.mulf %gather3A_506, %gather3A_507 : vector<16xf32>
    %mul3A_511 = arith.mulf %get3A_509, %gather3A_507 : vector<16xf32>
    %sub3A_512 = arith.subf %mul3A_510, %mul3A_511 : vector<16xf32>
    %abs3A = math.absf %sub3A_512 : vector<16xf32>
    %swap3A_513 = arith.constant 0 : index
    %swap3A_514 = tpu.vector_load %arg14[%swap3A_513] {strides = array<i32>} : memref<256xf32, #tpu.memory_space<vmem>>, vector<16xf32>,
    tpu.vector_store %arg14[%swap3A_513], %abs3A {strides = array<i32>} : memref<256xf32, #tpu.memory_space<vmem>>, vector<16xf32>,
    %iota3A_515 = tpu.iota {dimensions = array<i32: 0>} : vector<16xi32>
    %add3A_516 = arith.constant 16 : i32
    %add3A_517 = vector.broadcast %add3A_516 : i32 to vector<16xi32>
    %add3A_518 = arith.addi %iota3A_515, %add3A_517 : vector<16xi32>
    %shift_right_arithmetic3A_519 = arith.constant 1 : i32
    %shift_right_arithmetic3A_520 = vector.broadcast %shift_right_arithmetic3A_519 : i32 to vector<16xi32>
    %shift_right_arithmetic3A_521 = arith.shrsi %add3A_518, %shift_right_arithmetic3A_520 : vector<16xi32>
    %iota3A_522 = tpu.iota {dimensions = array<i32: 0>} : vector<16xi32>
    %add3A_523 = arith.constant 16 : i32
    %add3A_524 = vector.broadcast %add3A_523 : i32 to vector<16xi32>
    %add3A_525 = arith.addi %iota3A_522, %add3A_524 : vector<16xi32>
    %get3A_526 = arith.constant 16 : index
    %get3A_527 = tpu.vector_load %arg11[%get3A_526] {strides = array<i32>} : memref<256xi32, #tpu.memory_space<vmem>>, vector<16xi32>,
    %gather3A_528 = tpu.vector_load_idx %arg12[%add3A_525, %get3A_527] : memref<64x512xf32, #tpu.memory_space<vmem>>[vector<16xi32>, vector<16xi32>], vector<16xf32>,
    %gather3A_529 = tpu.vector_load_idx %arg8[%shift_right_arithmetic3A_521] : memref<128xf32, #tpu.memory_space<vmem>>[vector<16xi32>], vector<16xf32>,
    %get3A_530 = arith.constant 16 : index
    %get3A_531 = tpu.vector_load %arg9[%get3A_530] {strides = array<i32>} : memref<256xf32, #tpu.memory_space<vmem>>, vector<16xf32>,
    %mul3A_532 = arith.mulf %gather3A_528, %gather3A_529 : vector<16xf32>
    %mul3A_533 = arith.mulf %get3A_531, %gather3A_529 : vector<16xf32>
    %sub3A_534 = arith.subf %mul3A_532, %mul3A_533 : vector<16xf32>
    %abs3A_535 = math.absf %sub3A_534 : vector<16xf32>
    %swap3A_536 = arith.constant 16 : index
    %swap3A_537 = tpu.vector_load %arg14[%swap3A_536] {strides = array<i32>} : memref<256xf32, #tpu.memory_space<vmem>>, vector<16xf32>,
    tpu.vector_store %arg14[%swap3A_536], %abs3A_535 {strides = array<i32>} : memref<256xf32, #tpu.memory_space<vmem>>, vector<16xf32>,
    %iota3A_538 = tpu.iota {dimensions = array<i32: 0>} : vector<16xi32>
    %add3A_539 = arith.constant 32 : i32
    %add3A_540 = vector.broadcast %add3A_539 : i32 to vector<16xi32>
    %add3A_541 = arith.addi %iota3A_538, %add3A_540 : vector<16xi32>
    %shift_right_arithmetic3A_542 = arith.constant 1 : i32
    %shift_right_arithmetic3A_543 = vector.broadcast %shift_right_arithmetic3A_542 : i32 to vector<16xi32>
    %shift_right_arithmetic3A_544 = arith.shrsi %add3A_541, %shift_right_arithmetic3A_543 : vector<16xi32>
    %iota3A_545 = tpu.iota {dimensions = array<i32: 0>} : vector<16xi32>
    %add3A_546 = arith.constant 32 : i32
    %add3A_547 = vector.broadcast %add3A_546 : i32 to vector<16xi32>
    %add3A_548 = arith.addi %iota3A_545, %add3A_547 : vector<16xi32>
    %get3A_549 = arith.constant 32 : index
    %get3A_550 = tpu.vector_load %arg11[%get3A_549] {strides = array<i32>} : memref<256xi32, #tpu.memory_space<vmem>>, vector<16xi32>,
    %gather3A_551 = tpu.vector_load_idx %arg12[%add3A_548, %get3A_550] : memref<64x512xf32, #tpu.memory_space<vmem>>[vector<16xi32>, vector<16xi32>], vector<16xf32>,
    %gather3A_552 = tpu.vector_load_idx %arg8[%shift_right_arithmetic3A_544] : memref<128xf32, #tpu.memory_space<vmem>>[vector<16xi32>], vector<16xf32>,
    %get3A_553 = arith.constant 32 : index
    %get3A_554 = tpu.vector_load %arg9[%get3A_553] {strides = array<i32>} : memref<256xf32, #tpu.memory_space<vmem>>, vector<16xf32>,
    %mul3A_555 = arith.mulf %gather3A_551, %gather3A_552 : vector<16xf32>
    %mul3A_556 = arith.mulf %get3A_554, %gather3A_552 : vector<16xf32>
    %sub3A_557 = arith.subf %mul3A_555, %mul3A_556 : vector<16xf32>
    %abs3A_558 = math.absf %sub3A_557 : vector<16xf32>
    %swap3A_559 = arith.constant 32 : index
    %swap3A_560 = tpu.vector_load %arg14[%swap3A_559] {strides = array<i32>} : memref<256xf32, #tpu.memory_space<vmem>>, vector<16xf32>,
    tpu.vector_store %arg14[%swap3A_559], %abs3A_558 {strides = array<i32>} : memref<256xf32, #tpu.memory_space<vmem>>, vector<16xf32>,
    %iota3A_561 = tpu.iota {dimensions = array<i32: 0>} : vector<16xi32>
    %add3A_562 = arith.constant 48 : i32
    %add3A_563 = vector.broadcast %add3A_562 : i32 to vector<16xi32>
    %add3A_564 = arith.addi %iota3A_561, %add3A_563 : vector<16xi32>
    %shift_right_arithmetic3A_565 = arith.constant 1 : i32
    %shift_right_arithmetic3A_566 = vector.broadcast %shift_right_arithmetic3A_565 : i32 to vector<16xi32>
    %shift_right_arithmetic3A_567 = arith.shrsi %add3A_564, %shift_right_arithmetic3A_566 : vector<16xi32>
    %iota3A_568 = tpu.iota {dimensions = array<i32: 0>} : vector<16xi32>
    %add3A_569 = arith.constant 48 : i32
    %add3A_570 = vector.broadcast %add3A_569 : i32 to vector<16xi32>
    %add3A_571 = arith.addi %iota3A_568, %add3A_570 : vector<16xi32>
    %get3A_572 = arith.constant 48 : index
    %get3A_573 = tpu.vector_load %arg11[%get3A_572] {strides = array<i32>} : memref<256xi32, #tpu.memory_space<vmem>>, vector<16xi32>,
    %gather3A_574 = tpu.vector_load_idx %arg12[%add3A_571, %get3A_573] : memref<64x512xf32, #tpu.memory_space<vmem>>[vector<16xi32>, vector<16xi32>], vector<16xf32>,
    %gather3A_575 = tpu.vector_load_idx %arg8[%shift_right_arithmetic3A_567] : memref<128xf32, #tpu.memory_space<vmem>>[vector<16xi32>], vector<16xf32>,
    %get3A_576 = arith.constant 48 : index
    %get3A_577 = tpu.vector_load %arg9[%get3A_576] {strides = array<i32>} : memref<256xf32, #tpu.memory_space<vmem>>, vector<16xf32>,
    %mul3A_578 = arith.mulf %gather3A_574, %gather3A_575 : vector<16xf32>
    %mul3A_579 = arith.mulf %get3A_577, %gather3A_575 : vector<16xf32>
    %sub3A_580 = arith.subf %mul3A_578, %mul3A_579 : vector<16xf32>
    %abs3A_581 = math.absf %sub3A_580 : vector<16xf32>
    %swap3A_582 = arith.constant 48 : index
    %swap3A_583 = tpu.vector_load %arg14[%swap3A_582] {strides = array<i32>} : memref<256xf32, #tpu.memory_space<vmem>>, vector<16xf32>,
    tpu.vector_store %arg14[%swap3A_582], %abs3A_581 {strides = array<i32>} : memref<256xf32, #tpu.memory_space<vmem>>, vector<16xf32>,
    %dma_wait3A_584 = arith.constant 64 : i32
    %dma_wait3A_585 = tpu.memref_slice %arg10[%dma_wait3A_584] : memref<256xi32, #tpu.memory_space<vmem>> -> memref<64xi32, #tpu.memory_space<vmem>>
    %dma_wait3A_586 = arith.constant 0 : i32
    %dma_wait3A_587 = arith.constant 0 : i32
    %dma_wait3A_588 = tpu.memref_slice %arg2[%dma_wait3A_586, %dma_wait3A_587] : memref<16384x512xf32, #tpu.memory_space<hbm>> -> memref<16384x512xf32, #tpu.memory_space<hbm>>
    tpu.wait_indirect_dma semaphore(%arg19 : memref<!tpu.dma_semaphore, #tpu.memory_space<semaphore_mem>>) src(%dma_wait3A_588 : memref<16384x512xf32, #tpu.memory_space<hbm>>) dst(%arg13 : memref<64x512xf32, #tpu.memory_space<vmem>>)
    %dma_start3A_589 = arith.constant 128 : i32
    %dma_start3A_590 = tpu.memref_slice %arg10[%dma_start3A_589] : memref<256xi32, #tpu.memory_space<vmem>> -> memref<64xi32, #tpu.memory_space<vmem>>
    %dma_start3A_591 = arith.constant 0 : i32
    %dma_start3A_592 = arith.constant 0 : i32
    %dma_start3A_593 = tpu.memref_slice %arg2[%dma_start3A_591, %dma_start3A_592] : memref<16384x512xf32, #tpu.memory_space<hbm>> -> memref<16384x512xf32, #tpu.memory_space<hbm>>
    tpu.enqueue_indirect_dma source(%dma_start3A_593 : memref<16384x512xf32, #tpu.memory_space<hbm>>) target(%arg12 : memref<64x512xf32, #tpu.memory_space<vmem>>) offsets(%dma_start3A_590 : memref<64xi32, #tpu.memory_space<vmem>>) semaphore(%arg18 : memref<!tpu.dma_semaphore, #tpu.memory_space<semaphore_mem>>)
    %iota3A_594 = tpu.iota {dimensions = array<i32: 0>} : vector<16xi32>
    %add3A_595 = arith.constant 64 : i32
    %add3A_596 = vector.broadcast %add3A_595 : i32 to vector<16xi32>
    %add3A_597 = arith.addi %iota3A_594, %add3A_596 : vector<16xi32>
    %shift_right_arithmetic3A_598 = arith.constant 1 : i32
    %shift_right_arithmetic3A_599 = vector.broadcast %shift_right_arithmetic3A_598 : i32 to vector<16xi32>
    %shift_right_arithmetic3A_600 = arith.shrsi %add3A_597, %shift_right_arithmetic3A_599 : vector<16xi32>
    %iota3A_601 = tpu.iota {dimensions = array<i32: 0>} : vector<16xi32>
    %add3A_602 = arith.constant 0 : i32
    %add3A_603 = vector.broadcast %add3A_602 : i32 to vector<16xi32>
    %add3A_604 = arith.addi %iota3A_601, %add3A_603 : vector<16xi32>
    %get3A_605 = arith.constant 64 : index
    %get3A_606 = tpu.vector_load %arg11[%get3A_605] {strides = array<i32>} : memref<256xi32, #tpu.memory_space<vmem>>, vector<16xi32>,
    %gather3A_607 = tpu.vector_load_idx %arg13[%add3A_604, %get3A_606] : memref<64x512xf32, #tpu.memory_space<vmem>>[vector<16xi32>, vector<16xi32>], vector<16xf32>,
    %gather3A_608 = tpu.vector_load_idx %arg8[%shift_right_arithmetic3A_600] : memref<128xf32, #tpu.memory_space<vmem>>[vector<16xi32>], vector<16xf32>,
    %get3A_609 = arith.constant 64 : index
    %get3A_610 = tpu.vector_load %arg9[%get3A_609] {strides = array<i32>} : memref<256xf32, #tpu.memory_space<vmem>>, vector<16xf32>,
    %mul3A_611 = arith.mulf %gather3A_607, %gather3A_608 : vector<16xf32>
    %mul3A_612 = arith.mulf %get3A_610, %gather3A_608 : vector<16xf32>
    %sub3A_613 = arith.subf %mul3A_611, %mul3A_612 : vector<16xf32>
    %abs3A_614 = math.absf %sub3A_613 : vector<16xf32>
    %swap3A_615 = arith.constant 64 : index
    %swap3A_616 = tpu.vector_load %arg14[%swap3A_615] {strides = array<i32>} : memref<256xf32, #tpu.memory_space<vmem>>, vector<16xf32>,
    tpu.vector_store %arg14[%swap3A_615], %abs3A_614 {strides = array<i32>} : memref<256xf32, #tpu.memory_space<vmem>>, vector<16xf32>,
    %iota3A_617 = tpu.iota {dimensions = array<i32: 0>} : vector<16xi32>
    %add3A_618 = arith.constant 80 : i32
    %add3A_619 = vector.broadcast %add3A_618 : i32 to vector<16xi32>
    %add3A_620 = arith.addi %iota3A_617, %add3A_619 : vector<16xi32>
    %shift_right_arithmetic3A_621 = arith.constant 1 : i32
    %shift_right_arithmetic3A_622 = vector.broadcast %shift_right_arithmetic3A_621 : i32 to vector<16xi32>
    %shift_right_arithmetic3A_623 = arith.shrsi %add3A_620, %shift_right_arithmetic3A_622 : vector<16xi32>
    %iota3A_624 = tpu.iota {dimensions = array<i32: 0>} : vector<16xi32>
    %add3A_625 = arith.constant 16 : i32
    %add3A_626 = vector.broadcast %add3A_625 : i32 to vector<16xi32>
    %add3A_627 = arith.addi %iota3A_624, %add3A_626 : vector<16xi32>
    %get3A_628 = arith.constant 80 : index
    %get3A_629 = tpu.vector_load %arg11[%get3A_628] {strides = array<i32>} : memref<256xi32, #tpu.memory_space<vmem>>, vector<16xi32>,
    %gather3A_630 = tpu.vector_load_idx %arg13[%add3A_627, %get3A_629] : memref<64x512xf32, #tpu.memory_space<vmem>>[vector<16xi32>, vector<16xi32>], vector<16xf32>,
    %gather3A_631 = tpu.vector_load_idx %arg8[%shift_right_arithmetic3A_623] : memref<128xf32, #tpu.memory_space<vmem>>[vector<16xi32>], vector<16xf32>,
    %get3A_632 = arith.constant 80 : index
    %get3A_633 = tpu.vector_load %arg9[%get3A_632] {strides = array<i32>} : memref<256xf32, #tpu.memory_space<vmem>>, vector<16xf32>,
    %mul3A_634 = arith.mulf %gather3A_630, %gather3A_631 : vector<16xf32>
    %mul3A_635 = arith.mulf %get3A_633, %gather3A_631 : vector<16xf32>
    %sub3A_636 = arith.subf %mul3A_634, %mul3A_635 : vector<16xf32>
    %abs3A_637 = math.absf %sub3A_636 : vector<16xf32>
    %swap3A_638 = arith.constant 80 : index
    %swap3A_639 = tpu.vector_load %arg14[%swap3A_638] {strides = array<i32>} : memref<256xf32, #tpu.memory_space<vmem>>, vector<16xf32>,
    tpu.vector_store %arg14[%swap3A_638], %abs3A_637 {strides = array<i32>} : memref<256xf32, #tpu.memory_space<vmem>>, vector<16xf32>,
    %iota3A_640 = tpu.iota {dimensions = array<i32: 0>} : vector<16xi32>
    %add3A_641 = arith.constant 96 : i32
    %add3A_642 = vector.broadcast %add3A_641 : i32 to vector<16xi32>
    %add3A_643 = arith.addi %iota3A_640, %add3A_642 : vector<16xi32>
    %shift_right_arithmetic3A_644 = arith.constant 1 : i32
    %shift_right_arithmetic3A_645 = vector.broadcast %shift_right_arithmetic3A_644 : i32 to vector<16xi32>
    %shift_right_arithmetic3A_646 = arith.shrsi %add3A_643, %shift_right_arithmetic3A_645 : vector<16xi32>
    %iota3A_647 = tpu.iota {dimensions = array<i32: 0>} : vector<16xi32>
    %add3A_648 = arith.constant 32 : i32
    %add3A_649 = vector.broadcast %add3A_648 : i32 to vector<16xi32>
    %add3A_650 = arith.addi %iota3A_647, %add3A_649 : vector<16xi32>
    %get3A_651 = arith.constant 96 : index
    %get3A_652 = tpu.vector_load %arg11[%get3A_651] {strides = array<i32>} : memref<256xi32, #tpu.memory_space<vmem>>, vector<16xi32>,
    %gather3A_653 = tpu.vector_load_idx %arg13[%add3A_650, %get3A_652] : memref<64x512xf32, #tpu.memory_space<vmem>>[vector<16xi32>, vector<16xi32>], vector<16xf32>,
    %gather3A_654 = tpu.vector_load_idx %arg8[%shift_right_arithmetic3A_646] : memref<128xf32, #tpu.memory_space<vmem>>[vector<16xi32>], vector<16xf32>,
    %get3A_655 = arith.constant 96 : index
    %get3A_656 = tpu.vector_load %arg9[%get3A_655] {strides = array<i32>} : memref<256xf32, #tpu.memory_space<vmem>>, vector<16xf32>,
    %mul3A_657 = arith.mulf %gather3A_653, %gather3A_654 : vector<16xf32>
    %mul3A_658 = arith.mulf %get3A_656, %gather3A_654 : vector<16xf32>
    %sub3A_659 = arith.subf %mul3A_657, %mul3A_658 : vector<16xf32>
    %abs3A_660 = math.absf %sub3A_659 : vector<16xf32>
    %swap3A_661 = arith.constant 96 : index
    %swap3A_662 = tpu.vector_load %arg14[%swap3A_661] {strides = array<i32>} : memref<256xf32, #tpu.memory_space<vmem>>, vector<16xf32>,
    tpu.vector_store %arg14[%swap3A_661], %abs3A_660 {strides = array<i32>} : memref<256xf32, #tpu.memory_space<vmem>>, vector<16xf32>,
    %iota3A_663 = tpu.iota {dimensions = array<i32: 0>} : vector<16xi32>
    %add3A_664 = arith.constant 112 : i32
    %add3A_665 = vector.broadcast %add3A_664 : i32 to vector<16xi32>
    %add3A_666 = arith.addi %iota3A_663, %add3A_665 : vector<16xi32>
    %shift_right_arithmetic3A_667 = arith.constant 1 : i32
    %shift_right_arithmetic3A_668 = vector.broadcast %shift_right_arithmetic3A_667 : i32 to vector<16xi32>
    %shift_right_arithmetic3A_669 = arith.shrsi %add3A_666, %shift_right_arithmetic3A_668 : vector<16xi32>
    %iota3A_670 = tpu.iota {dimensions = array<i32: 0>} : vector<16xi32>
    %add3A_671 = arith.constant 48 : i32
    %add3A_672 = vector.broadcast %add3A_671 : i32 to vector<16xi32>
    %add3A_673 = arith.addi %iota3A_670, %add3A_672 : vector<16xi32>
    %get3A_674 = arith.constant 112 : index
    %get3A_675 = tpu.vector_load %arg11[%get3A_674] {strides = array<i32>} : memref<256xi32, #tpu.memory_space<vmem>>, vector<16xi32>,
    %gather3A_676 = tpu.vector_load_idx %arg13[%add3A_673, %get3A_675] : memref<64x512xf32, #tpu.memory_space<vmem>>[vector<16xi32>, vector<16xi32>], vector<16xf32>,
    %gather3A_677 = tpu.vector_load_idx %arg8[%shift_right_arithmetic3A_669] : memref<128xf32, #tpu.memory_space<vmem>>[vector<16xi32>], vector<16xf32>,
    %get3A_678 = arith.constant 112 : index
    %get3A_679 = tpu.vector_load %arg9[%get3A_678] {strides = array<i32>} : memref<256xf32, #tpu.memory_space<vmem>>, vector<16xf32>,
    %mul3A_680 = arith.mulf %gather3A_676, %gather3A_677 : vector<16xf32>
    %mul3A_681 = arith.mulf %get3A_679, %gather3A_677 : vector<16xf32>
    %sub3A_682 = arith.subf %mul3A_680, %mul3A_681 : vector<16xf32>
    %abs3A_683 = math.absf %sub3A_682 : vector<16xf32>
    %swap3A_684 = arith.constant 112 : index
    %swap3A_685 = tpu.vector_load %arg14[%swap3A_684] {strides = array<i32>} : memref<256xf32, #tpu.memory_space<vmem>>, vector<16xf32>,
    tpu.vector_store %arg14[%swap3A_684], %abs3A_683 {strides = array<i32>} : memref<256xf32, #tpu.memory_space<vmem>>, vector<16xf32>,
    %dma_wait3A_686 = arith.constant 128 : i32
    %dma_wait3A_687 = tpu.memref_slice %arg10[%dma_wait3A_686] : memref<256xi32, #tpu.memory_space<vmem>> -> memref<64xi32, #tpu.memory_space<vmem>>
    %dma_wait3A_688 = arith.constant 0 : i32
    %dma_wait3A_689 = arith.constant 0 : i32
    %dma_wait3A_690 = tpu.memref_slice %arg2[%dma_wait3A_688, %dma_wait3A_689] : memref<16384x512xf32, #tpu.memory_space<hbm>> -> memref<16384x512xf32, #tpu.memory_space<hbm>>
    tpu.wait_indirect_dma semaphore(%arg18 : memref<!tpu.dma_semaphore, #tpu.memory_space<semaphore_mem>>) src(%dma_wait3A_690 : memref<16384x512xf32, #tpu.memory_space<hbm>>) dst(%arg12 : memref<64x512xf32, #tpu.memory_space<vmem>>)
    %dma_start3A_691 = arith.constant 192 : i32
    %dma_start3A_692 = tpu.memref_slice %arg10[%dma_start3A_691] : memref<256xi32, #tpu.memory_space<vmem>> -> memref<64xi32, #tpu.memory_space<vmem>>
    %dma_start3A_693 = arith.constant 0 : i32
    %dma_start3A_694 = arith.constant 0 : i32
    %dma_start3A_695 = tpu.memref_slice %arg2[%dma_start3A_693, %dma_start3A_694] : memref<16384x512xf32, #tpu.memory_space<hbm>> -> memref<16384x512xf32, #tpu.memory_space<hbm>>
    tpu.enqueue_indirect_dma source(%dma_start3A_695 : memref<16384x512xf32, #tpu.memory_space<hbm>>) target(%arg13 : memref<64x512xf32, #tpu.memory_space<vmem>>) offsets(%dma_start3A_692 : memref<64xi32, #tpu.memory_space<vmem>>) semaphore(%arg19 : memref<!tpu.dma_semaphore, #tpu.memory_space<semaphore_mem>>)
    %iota3A_696 = tpu.iota {dimensions = array<i32: 0>} : vector<16xi32>
    %add3A_697 = arith.constant 128 : i32
    %add3A_698 = vector.broadcast %add3A_697 : i32 to vector<16xi32>
    %add3A_699 = arith.addi %iota3A_696, %add3A_698 : vector<16xi32>
    %shift_right_arithmetic3A_700 = arith.constant 1 : i32
    %shift_right_arithmetic3A_701 = vector.broadcast %shift_right_arithmetic3A_700 : i32 to vector<16xi32>
    %shift_right_arithmetic3A_702 = arith.shrsi %add3A_699, %shift_right_arithmetic3A_701 : vector<16xi32>
    %iota3A_703 = tpu.iota {dimensions = array<i32: 0>} : vector<16xi32>
    %add3A_704 = arith.constant 0 : i32
    %add3A_705 = vector.broadcast %add3A_704 : i32 to vector<16xi32>
    %add3A_706 = arith.addi %iota3A_703, %add3A_705 : vector<16xi32>
    %get3A_707 = arith.constant 128 : index
    %get3A_708 = tpu.vector_load %arg11[%get3A_707] {strides = array<i32>} : memref<256xi32, #tpu.memory_space<vmem>>, vector<16xi32>,
    %gather3A_709 = tpu.vector_load_idx %arg12[%add3A_706, %get3A_708] : memref<64x512xf32, #tpu.memory_space<vmem>>[vector<16xi32>, vector<16xi32>], vector<16xf32>,
    %gather3A_710 = tpu.vector_load_idx %arg8[%shift_right_arithmetic3A_702] : memref<128xf32, #tpu.memory_space<vmem>>[vector<16xi32>], vector<16xf32>,
    %get3A_711 = arith.constant 128 : index
    %get3A_712 = tpu.vector_load %arg9[%get3A_711] {strides = array<i32>} : memref<256xf32, #tpu.memory_space<vmem>>, vector<16xf32>,
    %mul3A_713 = arith.mulf %gather3A_709, %gather3A_710 : vector<16xf32>
    %mul3A_714 = arith.mulf %get3A_712, %gather3A_710 : vector<16xf32>
    %sub3A_715 = arith.subf %mul3A_713, %mul3A_714 : vector<16xf32>
    %abs3A_716 = math.absf %sub3A_715 : vector<16xf32>
    %swap3A_717 = arith.constant 128 : index
    %swap3A_718 = tpu.vector_load %arg14[%swap3A_717] {strides = array<i32>} : memref<256xf32, #tpu.memory_space<vmem>>, vector<16xf32>,
    tpu.vector_store %arg14[%swap3A_717], %abs3A_716 {strides = array<i32>} : memref<256xf32, #tpu.memory_space<vmem>>, vector<16xf32>,
    %iota3A_719 = tpu.iota {dimensions = array<i32: 0>} : vector<16xi32>
    %add3A_720 = arith.constant 144 : i32
    %add3A_721 = vector.broadcast %add3A_720 : i32 to vector<16xi32>
    %add3A_722 = arith.addi %iota3A_719, %add3A_721 : vector<16xi32>
    %shift_right_arithmetic3A_723 = arith.constant 1 : i32
    %shift_right_arithmetic3A_724 = vector.broadcast %shift_right_arithmetic3A_723 : i32 to vector<16xi32>
    %shift_right_arithmetic3A_725 = arith.shrsi %add3A_722, %shift_right_arithmetic3A_724 : vector<16xi32>
    %iota3A_726 = tpu.iota {dimensions = array<i32: 0>} : vector<16xi32>
    %add3A_727 = arith.constant 16 : i32
    %add3A_728 = vector.broadcast %add3A_727 : i32 to vector<16xi32>
    %add3A_729 = arith.addi %iota3A_726, %add3A_728 : vector<16xi32>
    %get3A_730 = arith.constant 144 : index
    %get3A_731 = tpu.vector_load %arg11[%get3A_730] {strides = array<i32>} : memref<256xi32, #tpu.memory_space<vmem>>, vector<16xi32>,
    %gather3A_732 = tpu.vector_load_idx %arg12[%add3A_729, %get3A_731] : memref<64x512xf32, #tpu.memory_space<vmem>>[vector<16xi32>, vector<16xi32>], vector<16xf32>,
    %gather3A_733 = tpu.vector_load_idx %arg8[%shift_right_arithmetic3A_725] : memref<128xf32, #tpu.memory_space<vmem>>[vector<16xi32>], vector<16xf32>,
    %get3A_734 = arith.constant 144 : index
    %get3A_735 = tpu.vector_load %arg9[%get3A_734] {strides = array<i32>} : memref<256xf32, #tpu.memory_space<vmem>>, vector<16xf32>,
    %mul3A_736 = arith.mulf %gather3A_732, %gather3A_733 : vector<16xf32>
    %mul3A_737 = arith.mulf %get3A_735, %gather3A_733 : vector<16xf32>
    %sub3A_738 = arith.subf %mul3A_736, %mul3A_737 : vector<16xf32>
    %abs3A_739 = math.absf %sub3A_738 : vector<16xf32>
    %swap3A_740 = arith.constant 144 : index
    %swap3A_741 = tpu.vector_load %arg14[%swap3A_740] {strides = array<i32>} : memref<256xf32, #tpu.memory_space<vmem>>, vector<16xf32>,
    tpu.vector_store %arg14[%swap3A_740], %abs3A_739 {strides = array<i32>} : memref<256xf32, #tpu.memory_space<vmem>>, vector<16xf32>,
    %iota3A_742 = tpu.iota {dimensions = array<i32: 0>} : vector<16xi32>
    %add3A_743 = arith.constant 160 : i32
    %add3A_744 = vector.broadcast %add3A_743 : i32 to vector<16xi32>
    %add3A_745 = arith.addi %iota3A_742, %add3A_744 : vector<16xi32>
    %shift_right_arithmetic3A_746 = arith.constant 1 : i32
    %shift_right_arithmetic3A_747 = vector.broadcast %shift_right_arithmetic3A_746 : i32 to vector<16xi32>
    %shift_right_arithmetic3A_748 = arith.shrsi %add3A_745, %shift_right_arithmetic3A_747 : vector<16xi32>
    %iota3A_749 = tpu.iota {dimensions = array<i32: 0>} : vector<16xi32>
    %add3A_750 = arith.constant 32 : i32
    %add3A_751 = vector.broadcast %add3A_750 : i32 to vector<16xi32>
    %add3A_752 = arith.addi %iota3A_749, %add3A_751 : vector<16xi32>
    %get3A_753 = arith.constant 160 : index
    %get3A_754 = tpu.vector_load %arg11[%get3A_753] {strides = array<i32>} : memref<256xi32, #tpu.memory_space<vmem>>, vector<16xi32>,
    %gather3A_755 = tpu.vector_load_idx %arg12[%add3A_752, %get3A_754] : memref<64x512xf32, #tpu.memory_space<vmem>>[vector<16xi32>, vector<16xi32>], vector<16xf32>,
    %gather3A_756 = tpu.vector_load_idx %arg8[%shift_right_arithmetic3A_748] : memref<128xf32, #tpu.memory_space<vmem>>[vector<16xi32>], vector<16xf32>,
    %get3A_757 = arith.constant 160 : index
    %get3A_758 = tpu.vector_load %arg9[%get3A_757] {strides = array<i32>} : memref<256xf32, #tpu.memory_space<vmem>>, vector<16xf32>,
    %mul3A_759 = arith.mulf %gather3A_755, %gather3A_756 : vector<16xf32>
    %mul3A_760 = arith.mulf %get3A_758, %gather3A_756 : vector<16xf32>
    %sub3A_761 = arith.subf %mul3A_759, %mul3A_760 : vector<16xf32>
    %abs3A_762 = math.absf %sub3A_761 : vector<16xf32>
    %swap3A_763 = arith.constant 160 : index
    %swap3A_764 = tpu.vector_load %arg14[%swap3A_763] {strides = array<i32>} : memref<256xf32, #tpu.memory_space<vmem>>, vector<16xf32>,
    tpu.vector_store %arg14[%swap3A_763], %abs3A_762 {strides = array<i32>} : memref<256xf32, #tpu.memory_space<vmem>>, vector<16xf32>,
    %iota3A_765 = tpu.iota {dimensions = array<i32: 0>} : vector<16xi32>
    %add3A_766 = arith.constant 176 : i32
    %add3A_767 = vector.broadcast %add3A_766 : i32 to vector<16xi32>
    %add3A_768 = arith.addi %iota3A_765, %add3A_767 : vector<16xi32>
    %shift_right_arithmetic3A_769 = arith.constant 1 : i32
    %shift_right_arithmetic3A_770 = vector.broadcast %shift_right_arithmetic3A_769 : i32 to vector<16xi32>
    %shift_right_arithmetic3A_771 = arith.shrsi %add3A_768, %shift_right_arithmetic3A_770 : vector<16xi32>
    %iota3A_772 = tpu.iota {dimensions = array<i32: 0>} : vector<16xi32>
    %add3A_773 = arith.constant 48 : i32
    %add3A_774 = vector.broadcast %add3A_773 : i32 to vector<16xi32>
    %add3A_775 = arith.addi %iota3A_772, %add3A_774 : vector<16xi32>
    %get3A_776 = arith.constant 176 : index
    %get3A_777 = tpu.vector_load %arg11[%get3A_776] {strides = array<i32>} : memref<256xi32, #tpu.memory_space<vmem>>, vector<16xi32>,
    %gather3A_778 = tpu.vector_load_idx %arg12[%add3A_775, %get3A_777] : memref<64x512xf32, #tpu.memory_space<vmem>>[vector<16xi32>, vector<16xi32>], vector<16xf32>,
    %gather3A_779 = tpu.vector_load_idx %arg8[%shift_right_arithmetic3A_771] : memref<128xf32, #tpu.memory_space<vmem>>[vector<16xi32>], vector<16xf32>,
    %get3A_780 = arith.constant 176 : index
    %get3A_781 = tpu.vector_load %arg9[%get3A_780] {strides = array<i32>} : memref<256xf32, #tpu.memory_space<vmem>>, vector<16xf32>,
    %mul3A_782 = arith.mulf %gather3A_778, %gather3A_779 : vector<16xf32>
    %mul3A_783 = arith.mulf %get3A_781, %gather3A_779 : vector<16xf32>
    %sub3A_784 = arith.subf %mul3A_782, %mul3A_783 : vector<16xf32>
    %abs3A_785 = math.absf %sub3A_784 : vector<16xf32>
    %swap3A_786 = arith.constant 176 : index
    %swap3A_787 = tpu.vector_load %arg14[%swap3A_786] {strides = array<i32>} : memref<256xf32, #tpu.memory_space<vmem>>, vector<16xf32>,
    tpu.vector_store %arg14[%swap3A_786], %abs3A_785 {strides = array<i32>} : memref<256xf32, #tpu.memory_space<vmem>>, vector<16xf32>,
    %dma_wait3A_788 = arith.constant 192 : i32
    %dma_wait3A_789 = tpu.memref_slice %arg10[%dma_wait3A_788] : memref<256xi32, #tpu.memory_space<vmem>> -> memref<64xi32, #tpu.memory_space<vmem>>
    %dma_wait3A_790 = arith.constant 0 : i32
    %dma_wait3A_791 = arith.constant 0 : i32
    %dma_wait3A_792 = tpu.memref_slice %arg2[%dma_wait3A_790, %dma_wait3A_791] : memref<16384x512xf32, #tpu.memory_space<hbm>> -> memref<16384x512xf32, #tpu.memory_space<hbm>>
    tpu.wait_indirect_dma semaphore(%arg19 : memref<!tpu.dma_semaphore, #tpu.memory_space<semaphore_mem>>) src(%dma_wait3A_792 : memref<16384x512xf32, #tpu.memory_space<hbm>>) dst(%arg13 : memref<64x512xf32, #tpu.memory_space<vmem>>)
    %iota3A_793 = tpu.iota {dimensions = array<i32: 0>} : vector<16xi32>
    %add3A_794 = arith.constant 192 : i32
    %add3A_795 = vector.broadcast %add3A_794 : i32 to vector<16xi32>
    %add3A_796 = arith.addi %iota3A_793, %add3A_795 : vector<16xi32>
    %shift_right_arithmetic3A_797 = arith.constant 1 : i32
    %shift_right_arithmetic3A_798 = vector.broadcast %shift_right_arithmetic3A_797 : i32 to vector<16xi32>
    %shift_right_arithmetic3A_799 = arith.shrsi %add3A_796, %shift_right_arithmetic3A_798 : vector<16xi32>
    %iota3A_800 = tpu.iota {dimensions = array<i32: 0>} : vector<16xi32>
    %add3A_801 = arith.constant 0 : i32
    %add3A_802 = vector.broadcast %add3A_801 : i32 to vector<16xi32>
    %add3A_803 = arith.addi %iota3A_800, %add3A_802 : vector<16xi32>
    %get3A_804 = arith.constant 192 : index
    %get3A_805 = tpu.vector_load %arg11[%get3A_804] {strides = array<i32>} : memref<256xi32, #tpu.memory_space<vmem>>, vector<16xi32>,
    %gather3A_806 = tpu.vector_load_idx %arg13[%add3A_803, %get3A_805] : memref<64x512xf32, #tpu.memory_space<vmem>>[vector<16xi32>, vector<16xi32>], vector<16xf32>,
    %gather3A_807 = tpu.vector_load_idx %arg8[%shift_right_arithmetic3A_799] : memref<128xf32, #tpu.memory_space<vmem>>[vector<16xi32>], vector<16xf32>,
    %get3A_808 = arith.constant 192 : index
    %get3A_809 = tpu.vector_load %arg9[%get3A_808] {strides = array<i32>} : memref<256xf32, #tpu.memory_space<vmem>>, vector<16xf32>,
    %mul3A_810 = arith.mulf %gather3A_806, %gather3A_807 : vector<16xf32>
    %mul3A_811 = arith.mulf %get3A_809, %gather3A_807 : vector<16xf32>
    %sub3A_812 = arith.subf %mul3A_810, %mul3A_811 : vector<16xf32>
    %abs3A_813 = math.absf %sub3A_812 : vector<16xf32>
    %swap3A_814 = arith.constant 192 : index
    %swap3A_815 = tpu.vector_load %arg14[%swap3A_814] {strides = array<i32>} : memref<256xf32, #tpu.memory_space<vmem>>, vector<16xf32>,
    tpu.vector_store %arg14[%swap3A_814], %abs3A_813 {strides = array<i32>} : memref<256xf32, #tpu.memory_space<vmem>>, vector<16xf32>,
    %iota3A_816 = tpu.iota {dimensions = array<i32: 0>} : vector<16xi32>
    %add3A_817 = arith.constant 208 : i32
    %add3A_818 = vector.broadcast %add3A_817 : i32 to vector<16xi32>
    %add3A_819 = arith.addi %iota3A_816, %add3A_818 : vector<16xi32>
    %shift_right_arithmetic3A_820 = arith.constant 1 : i32
    %shift_right_arithmetic3A_821 = vector.broadcast %shift_right_arithmetic3A_820 : i32 to vector<16xi32>
    %shift_right_arithmetic3A_822 = arith.shrsi %add3A_819, %shift_right_arithmetic3A_821 : vector<16xi32>
    %iota3A_823 = tpu.iota {dimensions = array<i32: 0>} : vector<16xi32>
    %add3A_824 = arith.constant 16 : i32
    %add3A_825 = vector.broadcast %add3A_824 : i32 to vector<16xi32>
    %add3A_826 = arith.addi %iota3A_823, %add3A_825 : vector<16xi32>
    %get3A_827 = arith.constant 208 : index
    %get3A_828 = tpu.vector_load %arg11[%get3A_827] {strides = array<i32>} : memref<256xi32, #tpu.memory_space<vmem>>, vector<16xi32>,
    %gather3A_829 = tpu.vector_load_idx %arg13[%add3A_826, %get3A_828] : memref<64x512xf32, #tpu.memory_space<vmem>>[vector<16xi32>, vector<16xi32>], vector<16xf32>,
    %gather3A_830 = tpu.vector_load_idx %arg8[%shift_right_arithmetic3A_822] : memref<128xf32, #tpu.memory_space<vmem>>[vector<16xi32>], vector<16xf32>,
    %get3A_831 = arith.constant 208 : index
    %get3A_832 = tpu.vector_load %arg9[%get3A_831] {strides = array<i32>} : memref<256xf32, #tpu.memory_space<vmem>>, vector<16xf32>,
    %mul3A_833 = arith.mulf %gather3A_829, %gather3A_830 : vector<16xf32>
    %mul3A_834 = arith.mulf %get3A_832, %gather3A_830 : vector<16xf32>
    %sub3A_835 = arith.subf %mul3A_833, %mul3A_834 : vector<16xf32>
    %abs3A_836 = math.absf %sub3A_835 : vector<16xf32>
    %swap3A_837 = arith.constant 208 : index
    %swap3A_838 = tpu.vector_load %arg14[%swap3A_837] {strides = array<i32>} : memref<256xf32, #tpu.memory_space<vmem>>, vector<16xf32>,
    tpu.vector_store %arg14[%swap3A_837], %abs3A_836 {strides = array<i32>} : memref<256xf32, #tpu.memory_space<vmem>>, vector<16xf32>,
    %iota3A_839 = tpu.iota {dimensions = array<i32: 0>} : vector<16xi32>
    %add3A_840 = arith.constant 224 : i32
    %add3A_841 = vector.broadcast %add3A_840 : i32 to vector<16xi32>
    %add3A_842 = arith.addi %iota3A_839, %add3A_841 : vector<16xi32>
    %shift_right_arithmetic3A_843 = arith.constant 1 : i32
    %shift_right_arithmetic3A_844 = vector.broadcast %shift_right_arithmetic3A_843 : i32 to vector<16xi32>
    %shift_right_arithmetic3A_845 = arith.shrsi %add3A_842, %shift_right_arithmetic3A_844 : vector<16xi32>
    %iota3A_846 = tpu.iota {dimensions = array<i32: 0>} : vector<16xi32>
    %add3A_847 = arith.constant 32 : i32
    %add3A_848 = vector.broadcast %add3A_847 : i32 to vector<16xi32>
    %add3A_849 = arith.addi %iota3A_846, %add3A_848 : vector<16xi32>
    %get3A_850 = arith.constant 224 : index
    %get3A_851 = tpu.vector_load %arg11[%get3A_850] {strides = array<i32>} : memref<256xi32, #tpu.memory_space<vmem>>, vector<16xi32>,
    %gather3A_852 = tpu.vector_load_idx %arg13[%add3A_849, %get3A_851] : memref<64x512xf32, #tpu.memory_space<vmem>>[vector<16xi32>, vector<16xi32>], vector<16xf32>,
    %gather3A_853 = tpu.vector_load_idx %arg8[%shift_right_arithmetic3A_845] : memref<128xf32, #tpu.memory_space<vmem>>[vector<16xi32>], vector<16xf32>,
    %get3A_854 = arith.constant 224 : index
    %get3A_855 = tpu.vector_load %arg9[%get3A_854] {strides = array<i32>} : memref<256xf32, #tpu.memory_space<vmem>>, vector<16xf32>,
    %mul3A_856 = arith.mulf %gather3A_852, %gather3A_853 : vector<16xf32>
    %mul3A_857 = arith.mulf %get3A_855, %gather3A_853 : vector<16xf32>
    %sub3A_858 = arith.subf %mul3A_856, %mul3A_857 : vector<16xf32>
    %abs3A_859 = math.absf %sub3A_858 : vector<16xf32>
    %swap3A_860 = arith.constant 224 : index
    %swap3A_861 = tpu.vector_load %arg14[%swap3A_860] {strides = array<i32>} : memref<256xf32, #tpu.memory_space<vmem>>, vector<16xf32>,
    tpu.vector_store %arg14[%swap3A_860], %abs3A_859 {strides = array<i32>} : memref<256xf32, #tpu.memory_space<vmem>>, vector<16xf32>,
    %iota3A_862 = tpu.iota {dimensions = array<i32: 0>} : vector<16xi32>
    %add3A_863 = arith.constant 240 : i32
    %add3A_864 = vector.broadcast %add3A_863 : i32 to vector<16xi32>
    %add3A_865 = arith.addi %iota3A_862, %add3A_864 : vector<16xi32>
    %shift_right_arithmetic3A_866 = arith.constant 1 : i32
    %shift_right_arithmetic3A_867 = vector.broadcast %shift_right_arithmetic3A_866 : i32 to vector<16xi32>
    %shift_right_arithmetic3A_868 = arith.shrsi %add3A_865, %shift_right_arithmetic3A_867 : vector<16xi32>
    %iota3A_869 = tpu.iota {dimensions = array<i32: 0>} : vector<16xi32>
    %add3A_870 = arith.constant 48 : i32
    %add3A_871 = vector.broadcast %add3A_870 : i32 to vector<16xi32>
    %add3A_872 = arith.addi %iota3A_869, %add3A_871 : vector<16xi32>
    %get3A_873 = arith.constant 240 : index
    %get3A_874 = tpu.vector_load %arg11[%get3A_873] {strides = array<i32>} : memref<256xi32, #tpu.memory_space<vmem>>, vector<16xi32>,
    %gather3A_875 = tpu.vector_load_idx %arg13[%add3A_872, %get3A_874] : memref<64x512xf32, #tpu.memory_space<vmem>>[vector<16xi32>, vector<16xi32>], vector<16xf32>,
    %gather3A_876 = tpu.vector_load_idx %arg8[%shift_right_arithmetic3A_868] : memref<128xf32, #tpu.memory_space<vmem>>[vector<16xi32>], vector<16xf32>,
    %get3A_877 = arith.constant 240 : index
    %get3A_878 = tpu.vector_load %arg9[%get3A_877] {strides = array<i32>} : memref<256xf32, #tpu.memory_space<vmem>>, vector<16xf32>,
    %mul3A_879 = arith.mulf %gather3A_875, %gather3A_876 : vector<16xf32>
    %mul3A_880 = arith.mulf %get3A_878, %gather3A_876 : vector<16xf32>
    %sub3A_881 = arith.subf %mul3A_879, %mul3A_880 : vector<16xf32>
    %abs3A_882 = math.absf %sub3A_881 : vector<16xf32>
    %swap3A_883 = arith.constant 240 : index
    %swap3A_884 = tpu.vector_load %arg14[%swap3A_883] {strides = array<i32>} : memref<256xf32, #tpu.memory_space<vmem>>, vector<16xf32>,
    tpu.vector_store %arg14[%swap3A_883], %abs3A_882 {strides = array<i32>} : memref<256xf32, #tpu.memory_space<vmem>>, vector<16xf32>,
    %broadcast_in_dim3A = arith.constant 0.000000e+00 : f32
    %broadcast_in_dim3A_885 = vector.broadcast %broadcast_in_dim3A : f32 to vector<16xf32>
    %broadcast_in_dim3A_886 = arith.constant 0.000000e+00 : f32
    %broadcast_in_dim3A_887 = vector.broadcast %broadcast_in_dim3A_886 : f32 to vector<16xf32>
    %iota3A_888 = tpu.iota {dimensions = array<i32: 0>} : vector<16xi32>
    %add3A_889 = arith.constant 0 : i32
    %add3A_890 = vector.broadcast %add3A_889 : i32 to vector<16xi32>
    %add3A_891 = arith.addi %iota3A_888, %add3A_890 : vector<16xi32>
    %get3A_892 = arith.constant 0 : index
    %get3A_893 = tpu.vector_load %arg14[%get3A_892] {strides = array<i32>} : memref<256xf32, #tpu.memory_space<vmem>>, vector<16xf32>,
    %add3A_894 = arith.addf %broadcast_in_dim3A_885, %get3A_893 : vector<16xf32>
    %shift_right_arithmetic3A_895 = arith.constant 1 : i32
    %shift_right_arithmetic3A_896 = vector.broadcast %shift_right_arithmetic3A_895 : i32 to vector<16xi32>
    %shift_right_arithmetic3A_897 = arith.shrsi %add3A_891, %shift_right_arithmetic3A_896 : vector<16xi32>
    %gather3A_898 = tpu.vector_load_idx %arg8[%shift_right_arithmetic3A_897] : memref<128xf32, #tpu.memory_space<vmem>>[vector<16xi32>], vector<16xf32>,
    %add3A_899 = arith.addf %broadcast_in_dim3A_887, %gather3A_898 : vector<16xf32>
    %iota3A_900 = tpu.iota {dimensions = array<i32: 0>} : vector<16xi32>
    %add3A_901 = arith.constant 16 : i32
    %add3A_902 = vector.broadcast %add3A_901 : i32 to vector<16xi32>
    %add3A_903 = arith.addi %iota3A_900, %add3A_902 : vector<16xi32>
    %get3A_904 = arith.constant 16 : index
    %get3A_905 = tpu.vector_load %arg14[%get3A_904] {strides = array<i32>} : memref<256xf32, #tpu.memory_space<vmem>>, vector<16xf32>,
    %add3A_906 = arith.addf %add3A_894, %get3A_905 : vector<16xf32>
    %shift_right_arithmetic3A_907 = arith.constant 1 : i32
    %shift_right_arithmetic3A_908 = vector.broadcast %shift_right_arithmetic3A_907 : i32 to vector<16xi32>
    %shift_right_arithmetic3A_909 = arith.shrsi %add3A_903, %shift_right_arithmetic3A_908 : vector<16xi32>
    %gather3A_910 = tpu.vector_load_idx %arg8[%shift_right_arithmetic3A_909] : memref<128xf32, #tpu.memory_space<vmem>>[vector<16xi32>], vector<16xf32>,
    %add3A_911 = arith.addf %add3A_899, %gather3A_910 : vector<16xf32>
    %iota3A_912 = tpu.iota {dimensions = array<i32: 0>} : vector<16xi32>
    %add3A_913 = arith.constant 32 : i32
    %add3A_914 = vector.broadcast %add3A_913 : i32 to vector<16xi32>
    %add3A_915 = arith.addi %iota3A_912, %add3A_914 : vector<16xi32>
    %get3A_916 = arith.constant 32 : index
    %get3A_917 = tpu.vector_load %arg14[%get3A_916] {strides = array<i32>} : memref<256xf32, #tpu.memory_space<vmem>>, vector<16xf32>,
    %add3A_918 = arith.addf %add3A_906, %get3A_917 : vector<16xf32>
    %shift_right_arithmetic3A_919 = arith.constant 1 : i32
    %shift_right_arithmetic3A_920 = vector.broadcast %shift_right_arithmetic3A_919 : i32 to vector<16xi32>
    %shift_right_arithmetic3A_921 = arith.shrsi %add3A_915, %shift_right_arithmetic3A_920 : vector<16xi32>
    %gather3A_922 = tpu.vector_load_idx %arg8[%shift_right_arithmetic3A_921] : memref<128xf32, #tpu.memory_space<vmem>>[vector<16xi32>], vector<16xf32>,
    %add3A_923 = arith.addf %add3A_911, %gather3A_922 : vector<16xf32>
    %iota3A_924 = tpu.iota {dimensions = array<i32: 0>} : vector<16xi32>
    %add3A_925 = arith.constant 48 : i32
    %add3A_926 = vector.broadcast %add3A_925 : i32 to vector<16xi32>
    %add3A_927 = arith.addi %iota3A_924, %add3A_926 : vector<16xi32>
    %get3A_928 = arith.constant 48 : index
    %get3A_929 = tpu.vector_load %arg14[%get3A_928] {strides = array<i32>} : memref<256xf32, #tpu.memory_space<vmem>>, vector<16xf32>,
    %add3A_930 = arith.addf %add3A_918, %get3A_929 : vector<16xf32>
    %shift_right_arithmetic3A_931 = arith.constant 1 : i32
    %shift_right_arithmetic3A_932 = vector.broadcast %shift_right_arithmetic3A_931 : i32 to vector<16xi32>
    %shift_right_arithmetic3A_933 = arith.shrsi %add3A_927, %shift_right_arithmetic3A_932 : vector<16xi32>
    %gather3A_934 = tpu.vector_load_idx %arg8[%shift_right_arithmetic3A_933] : memref<128xf32, #tpu.memory_space<vmem>>[vector<16xi32>], vector<16xf32>,
    %add3A_935 = arith.addf %add3A_923, %gather3A_934 : vector<16xf32>
    %iota3A_936 = tpu.iota {dimensions = array<i32: 0>} : vector<16xi32>
    %add3A_937 = arith.constant 64 : i32
    %add3A_938 = vector.broadcast %add3A_937 : i32 to vector<16xi32>
    %add3A_939 = arith.addi %iota3A_936, %add3A_938 : vector<16xi32>
    %get3A_940 = arith.constant 64 : index
    %get3A_941 = tpu.vector_load %arg14[%get3A_940] {strides = array<i32>} : memref<256xf32, #tpu.memory_space<vmem>>, vector<16xf32>,
    %add3A_942 = arith.addf %add3A_930, %get3A_941 : vector<16xf32>
    %shift_right_arithmetic3A_943 = arith.constant 1 : i32
    %shift_right_arithmetic3A_944 = vector.broadcast %shift_right_arithmetic3A_943 : i32 to vector<16xi32>
    %shift_right_arithmetic3A_945 = arith.shrsi %add3A_939, %shift_right_arithmetic3A_944 : vector<16xi32>
    %gather3A_946 = tpu.vector_load_idx %arg8[%shift_right_arithmetic3A_945] : memref<128xf32, #tpu.memory_space<vmem>>[vector<16xi32>], vector<16xf32>,
    %add3A_947 = arith.addf %add3A_935, %gather3A_946 : vector<16xf32>
    %iota3A_948 = tpu.iota {dimensions = array<i32: 0>} : vector<16xi32>
    %add3A_949 = arith.constant 80 : i32
    %add3A_950 = vector.broadcast %add3A_949 : i32 to vector<16xi32>
    %add3A_951 = arith.addi %iota3A_948, %add3A_950 : vector<16xi32>
    %get3A_952 = arith.constant 80 : index
    %get3A_953 = tpu.vector_load %arg14[%get3A_952] {strides = array<i32>} : memref<256xf32, #tpu.memory_space<vmem>>, vector<16xf32>,
    %add3A_954 = arith.addf %add3A_942, %get3A_953 : vector<16xf32>
    %shift_right_arithmetic3A_955 = arith.constant 1 : i32
    %shift_right_arithmetic3A_956 = vector.broadcast %shift_right_arithmetic3A_955 : i32 to vector<16xi32>
    %shift_right_arithmetic3A_957 = arith.shrsi %add3A_951, %shift_right_arithmetic3A_956 : vector<16xi32>
    %gather3A_958 = tpu.vector_load_idx %arg8[%shift_right_arithmetic3A_957] : memref<128xf32, #tpu.memory_space<vmem>>[vector<16xi32>], vector<16xf32>,
    %add3A_959 = arith.addf %add3A_947, %gather3A_958 : vector<16xf32>
    %iota3A_960 = tpu.iota {dimensions = array<i32: 0>} : vector<16xi32>
    %add3A_961 = arith.constant 96 : i32
    %add3A_962 = vector.broadcast %add3A_961 : i32 to vector<16xi32>
    %add3A_963 = arith.addi %iota3A_960, %add3A_962 : vector<16xi32>
    %get3A_964 = arith.constant 96 : index
    %get3A_965 = tpu.vector_load %arg14[%get3A_964] {strides = array<i32>} : memref<256xf32, #tpu.memory_space<vmem>>, vector<16xf32>,
    %add3A_966 = arith.addf %add3A_954, %get3A_965 : vector<16xf32>
    %shift_right_arithmetic3A_967 = arith.constant 1 : i32
    %shift_right_arithmetic3A_968 = vector.broadcast %shift_right_arithmetic3A_967 : i32 to vector<16xi32>
    %shift_right_arithmetic3A_969 = arith.shrsi %add3A_963, %shift_right_arithmetic3A_968 : vector<16xi32>
    %gather3A_970 = tpu.vector_load_idx %arg8[%shift_right_arithmetic3A_969] : memref<128xf32, #tpu.memory_space<vmem>>[vector<16xi32>], vector<16xf32>,
    %add3A_971 = arith.addf %add3A_959, %gather3A_970 : vector<16xf32>
    %iota3A_972 = tpu.iota {dimensions = array<i32: 0>} : vector<16xi32>
    %add3A_973 = arith.constant 112 : i32
    %add3A_974 = vector.broadcast %add3A_973 : i32 to vector<16xi32>
    %add3A_975 = arith.addi %iota3A_972, %add3A_974 : vector<16xi32>
    %get3A_976 = arith.constant 112 : index
    %get3A_977 = tpu.vector_load %arg14[%get3A_976] {strides = array<i32>} : memref<256xf32, #tpu.memory_space<vmem>>, vector<16xf32>,
    %add3A_978 = arith.addf %add3A_966, %get3A_977 : vector<16xf32>
    %shift_right_arithmetic3A_979 = arith.constant 1 : i32
    %shift_right_arithmetic3A_980 = vector.broadcast %shift_right_arithmetic3A_979 : i32 to vector<16xi32>
    %shift_right_arithmetic3A_981 = arith.shrsi %add3A_975, %shift_right_arithmetic3A_980 : vector<16xi32>
    %gather3A_982 = tpu.vector_load_idx %arg8[%shift_right_arithmetic3A_981] : memref<128xf32, #tpu.memory_space<vmem>>[vector<16xi32>], vector<16xf32>,
    %add3A_983 = arith.addf %add3A_971, %gather3A_982 : vector<16xf32>
    %iota3A_984 = tpu.iota {dimensions = array<i32: 0>} : vector<16xi32>
    %add3A_985 = arith.constant 128 : i32
    %add3A_986 = vector.broadcast %add3A_985 : i32 to vector<16xi32>
    %add3A_987 = arith.addi %iota3A_984, %add3A_986 : vector<16xi32>
    %get3A_988 = arith.constant 128 : index
    %get3A_989 = tpu.vector_load %arg14[%get3A_988] {strides = array<i32>} : memref<256xf32, #tpu.memory_space<vmem>>, vector<16xf32>,
    %add3A_990 = arith.addf %add3A_978, %get3A_989 : vector<16xf32>
    %shift_right_arithmetic3A_991 = arith.constant 1 : i32
    %shift_right_arithmetic3A_992 = vector.broadcast %shift_right_arithmetic3A_991 : i32 to vector<16xi32>
    %shift_right_arithmetic3A_993 = arith.shrsi %add3A_987, %shift_right_arithmetic3A_992 : vector<16xi32>
    %gather3A_994 = tpu.vector_load_idx %arg8[%shift_right_arithmetic3A_993] : memref<128xf32, #tpu.memory_space<vmem>>[vector<16xi32>], vector<16xf32>,
    %add3A_995 = arith.addf %add3A_983, %gather3A_994 : vector<16xf32>
    %iota3A_996 = tpu.iota {dimensions = array<i32: 0>} : vector<16xi32>
    %add3A_997 = arith.constant 144 : i32
    %add3A_998 = vector.broadcast %add3A_997 : i32 to vector<16xi32>
    %add3A_999 = arith.addi %iota3A_996, %add3A_998 : vector<16xi32>
    %get3A_1000 = arith.constant 144 : index
    %get3A_1001 = tpu.vector_load %arg14[%get3A_1000] {strides = array<i32>} : memref<256xf32, #tpu.memory_space<vmem>>, vector<16xf32>,
    %add3A_1002 = arith.addf %add3A_990, %get3A_1001 : vector<16xf32>
    %shift_right_arithmetic3A_1003 = arith.constant 1 : i32
    %shift_right_arithmetic3A_1004 = vector.broadcast %shift_right_arithmetic3A_1003 : i32 to vector<16xi32>
    %shift_right_arithmetic3A_1005 = arith.shrsi %add3A_999, %shift_right_arithmetic3A_1004 : vector<16xi32>
    %gather3A_1006 = tpu.vector_load_idx %arg8[%shift_right_arithmetic3A_1005] : memref<128xf32, #tpu.memory_space<vmem>>[vector<16xi32>], vector<16xf32>,
    %add3A_1007 = arith.addf %add3A_995, %gather3A_1006 : vector<16xf32>
    %iota3A_1008 = tpu.iota {dimensions = array<i32: 0>} : vector<16xi32>
    %add3A_1009 = arith.constant 160 : i32
    %add3A_1010 = vector.broadcast %add3A_1009 : i32 to vector<16xi32>
    %add3A_1011 = arith.addi %iota3A_1008, %add3A_1010 : vector<16xi32>
    %get3A_1012 = arith.constant 160 : index
    %get3A_1013 = tpu.vector_load %arg14[%get3A_1012] {strides = array<i32>} : memref<256xf32, #tpu.memory_space<vmem>>, vector<16xf32>,
    %add3A_1014 = arith.addf %add3A_1002, %get3A_1013 : vector<16xf32>
    %shift_right_arithmetic3A_1015 = arith.constant 1 : i32
    %shift_right_arithmetic3A_1016 = vector.broadcast %shift_right_arithmetic3A_1015 : i32 to vector<16xi32>
    %shift_right_arithmetic3A_1017 = arith.shrsi %add3A_1011, %shift_right_arithmetic3A_1016 : vector<16xi32>
    %gather3A_1018 = tpu.vector_load_idx %arg8[%shift_right_arithmetic3A_1017] : memref<128xf32, #tpu.memory_space<vmem>>[vector<16xi32>], vector<16xf32>,
    %add3A_1019 = arith.addf %add3A_1007, %gather3A_1018 : vector<16xf32>
    %iota3A_1020 = tpu.iota {dimensions = array<i32: 0>} : vector<16xi32>
    %add3A_1021 = arith.constant 176 : i32
    %add3A_1022 = vector.broadcast %add3A_1021 : i32 to vector<16xi32>
    %add3A_1023 = arith.addi %iota3A_1020, %add3A_1022 : vector<16xi32>
    %get3A_1024 = arith.constant 176 : index
    %get3A_1025 = tpu.vector_load %arg14[%get3A_1024] {strides = array<i32>} : memref<256xf32, #tpu.memory_space<vmem>>, vector<16xf32>,
    %add3A_1026 = arith.addf %add3A_1014, %get3A_1025 : vector<16xf32>
    %shift_right_arithmetic3A_1027 = arith.constant 1 : i32
    %shift_right_arithmetic3A_1028 = vector.broadcast %shift_right_arithmetic3A_1027 : i32 to vector<16xi32>
    %shift_right_arithmetic3A_1029 = arith.shrsi %add3A_1023, %shift_right_arithmetic3A_1028 : vector<16xi32>
    %gather3A_1030 = tpu.vector_load_idx %arg8[%shift_right_arithmetic3A_1029] : memref<128xf32, #tpu.memory_space<vmem>>[vector<16xi32>], vector<16xf32>,
    %add3A_1031 = arith.addf %add3A_1019, %gather3A_1030 : vector<16xf32>
    %iota3A_1032 = tpu.iota {dimensions = array<i32: 0>} : vector<16xi32>
    %add3A_1033 = arith.constant 192 : i32
    %add3A_1034 = vector.broadcast %add3A_1033 : i32 to vector<16xi32>
    %add3A_1035 = arith.addi %iota3A_1032, %add3A_1034 : vector<16xi32>
    %get3A_1036 = arith.constant 192 : index
    %get3A_1037 = tpu.vector_load %arg14[%get3A_1036] {strides = array<i32>} : memref<256xf32, #tpu.memory_space<vmem>>, vector<16xf32>,
    %add3A_1038 = arith.addf %add3A_1026, %get3A_1037 : vector<16xf32>
    %shift_right_arithmetic3A_1039 = arith.constant 1 : i32
    %shift_right_arithmetic3A_1040 = vector.broadcast %shift_right_arithmetic3A_1039 : i32 to vector<16xi32>
    %shift_right_arithmetic3A_1041 = arith.shrsi %add3A_1035, %shift_right_arithmetic3A_1040 : vector<16xi32>
    %gather3A_1042 = tpu.vector_load_idx %arg8[%shift_right_arithmetic3A_1041] : memref<128xf32, #tpu.memory_space<vmem>>[vector<16xi32>], vector<16xf32>,
    %add3A_1043 = arith.addf %add3A_1031, %gather3A_1042 : vector<16xf32>
    %iota3A_1044 = tpu.iota {dimensions = array<i32: 0>} : vector<16xi32>
    %add3A_1045 = arith.constant 208 : i32
    %add3A_1046 = vector.broadcast %add3A_1045 : i32 to vector<16xi32>
    %add3A_1047 = arith.addi %iota3A_1044, %add3A_1046 : vector<16xi32>
    %get3A_1048 = arith.constant 208 : index
    %get3A_1049 = tpu.vector_load %arg14[%get3A_1048] {strides = array<i32>} : memref<256xf32, #tpu.memory_space<vmem>>, vector<16xf32>,
    %add3A_1050 = arith.addf %add3A_1038, %get3A_1049 : vector<16xf32>
    %shift_right_arithmetic3A_1051 = arith.constant 1 : i32
    %shift_right_arithmetic3A_1052 = vector.broadcast %shift_right_arithmetic3A_1051 : i32 to vector<16xi32>
    %shift_right_arithmetic3A_1053 = arith.shrsi %add3A_1047, %shift_right_arithmetic3A_1052 : vector<16xi32>
    %gather3A_1054 = tpu.vector_load_idx %arg8[%shift_right_arithmetic3A_1053] : memref<128xf32, #tpu.memory_space<vmem>>[vector<16xi32>], vector<16xf32>,
    %add3A_1055 = arith.addf %add3A_1043, %gather3A_1054 : vector<16xf32>
    %iota3A_1056 = tpu.iota {dimensions = array<i32: 0>} : vector<16xi32>
    %add3A_1057 = arith.constant 224 : i32
    %add3A_1058 = vector.broadcast %add3A_1057 : i32 to vector<16xi32>
    %add3A_1059 = arith.addi %iota3A_1056, %add3A_1058 : vector<16xi32>
    %get3A_1060 = arith.constant 224 : index
    %get3A_1061 = tpu.vector_load %arg14[%get3A_1060] {strides = array<i32>} : memref<256xf32, #tpu.memory_space<vmem>>, vector<16xf32>,
    %add3A_1062 = arith.addf %add3A_1050, %get3A_1061 : vector<16xf32>
    %shift_right_arithmetic3A_1063 = arith.constant 1 : i32
    %shift_right_arithmetic3A_1064 = vector.broadcast %shift_right_arithmetic3A_1063 : i32 to vector<16xi32>
    %shift_right_arithmetic3A_1065 = arith.shrsi %add3A_1059, %shift_right_arithmetic3A_1064 : vector<16xi32>
    %gather3A_1066 = tpu.vector_load_idx %arg8[%shift_right_arithmetic3A_1065] : memref<128xf32, #tpu.memory_space<vmem>>[vector<16xi32>], vector<16xf32>,
    %add3A_1067 = arith.addf %add3A_1055, %gather3A_1066 : vector<16xf32>
    %iota3A_1068 = tpu.iota {dimensions = array<i32: 0>} : vector<16xi32>
    %add3A_1069 = arith.constant 240 : i32
    %add3A_1070 = vector.broadcast %add3A_1069 : i32 to vector<16xi32>
    %add3A_1071 = arith.addi %iota3A_1068, %add3A_1070 : vector<16xi32>
    %get3A_1072 = arith.constant 240 : index
    %get3A_1073 = tpu.vector_load %arg14[%get3A_1072] {strides = array<i32>} : memref<256xf32, #tpu.memory_space<vmem>>, vector<16xf32>,
    %add3A_1074 = arith.addf %add3A_1062, %get3A_1073 : vector<16xf32>
    %shift_right_arithmetic3A_1075 = arith.constant 1 : i32
    %shift_right_arithmetic3A_1076 = vector.broadcast %shift_right_arithmetic3A_1075 : i32 to vector<16xi32>
    %shift_right_arithmetic3A_1077 = arith.shrsi %add3A_1071, %shift_right_arithmetic3A_1076 : vector<16xi32>
    %gather3A_1078 = tpu.vector_load_idx %arg8[%shift_right_arithmetic3A_1077] : memref<128xf32, #tpu.memory_space<vmem>>[vector<16xi32>], vector<16xf32>,
    %add3A_1079 = arith.addf %add3A_1067, %gather3A_1078 : vector<16xf32>
    %swap3A_1080 = arith.constant 0 : index
    %swap3A_1081 = tpu.vector_load %arg15[%swap3A_1080] {strides = array<i32>} : memref<32xf32, #tpu.memory_space<vmem>>, vector<16xf32>,
    tpu.vector_store %arg15[%swap3A_1080], %add3A_1074 {strides = array<i32>} : memref<32xf32, #tpu.memory_space<vmem>>, vector<16xf32>,
    %swap3A_1082 = arith.constant 16 : index
    %swap3A_1083 = tpu.vector_load %arg15[%swap3A_1082] {strides = array<i32>} : memref<32xf32, #tpu.memory_space<vmem>>, vector<16xf32>,
    tpu.vector_store %arg15[%swap3A_1082], %add3A_1079 {strides = array<i32>} : memref<32xf32, #tpu.memory_space<vmem>>, vector<16xf32>,
    %mul3A_1084 = arith.constant 2 : i32
    %mul3A_1085 = arith.muli %arg1, %mul3A_1084 : i32
    %mul3A_1086 = arith.constant 16 : i32
    %mul3A_1087 = arith.muli %mul3A_1085, %mul3A_1086 : i32
    "tpu.region"() ({
      %run_scoped3A = tpu.sem_alloc : memref<!tpu.dma_semaphore, #tpu.memory_space<semaphore_mem>>
      %dma_start3A_1090 = tpu.memref_slice %arg17[%mul3A_1087] : memref<512xf32, #tpu.memory_space<vmem_shared>> -> memref<32xf32, #tpu.memory_space<vmem_shared>>
      %dma_start3A_1091 = tpu.memref_slice %arg17[%mul3A_1087] : memref<512xf32, #tpu.memory_space<vmem_shared>> -> memref<32xf32, #tpu.memory_space<vmem_shared>>
      tpu.enqueue_dma source(%arg15 : memref<32xf32, #tpu.memory_space<vmem>>) target(%dma_start3A_1091 : memref<32xf32, #tpu.memory_space<vmem_shared>>) target_semaphore(%run_scoped3A : memref<!tpu.dma_semaphore, #tpu.memory_space<semaphore_mem>>)
      %dma_wait3A_1092 = tpu.memref_slice %arg17[%mul3A_1087] : memref<512xf32, #tpu.memory_space<vmem_shared>> -> memref<32xf32, #tpu.memory_space<vmem_shared>>
      %dma_wait3A_1093 = tpu.memref_slice %arg17[%mul3A_1087] : memref<512xf32, #tpu.memory_space<vmem_shared>> -> memref<32xf32, #tpu.memory_space<vmem_shared>>
      tpu.wait_dma2 semaphore(%run_scoped3A : memref<!tpu.dma_semaphore, #tpu.memory_space<semaphore_mem>>) src(%arg15 : memref<32xf32, #tpu.memory_space<vmem>>) dst(%dma_wait3A_1093 : memref<32xf32, #tpu.memory_space<vmem_shared>>)
      tpu.yield
    }) : () -> ()
    %barrier3A = arith.constant 0 : index
    tpu.barrier barrier_id(%barrier3A)
    %eq3A = arith.constant 0 : i32
    %eq3A_1088 = arith.cmpi eq, %arg1, %eq3A : i32
    %convert_element_type3A = arith.extui %eq3A_1088 : i1 to i32
    %cond3A = arith.constant 0 : i32
    %cond3A_1089 = arith.cmpi ne, %convert_element_type3A, %cond3A : i32
    scf.if %cond3A_1089 {
      "tpu.region"() ({
        %run_scoped3A = tpu.sem_alloc : memref<!tpu.dma_semaphore, #tpu.memory_space<semaphore_mem>>
        tpu.enqueue_dma source(%arg17 : memref<512xf32, #tpu.memory_space<vmem_shared>>) target(%arg16 : memref<512xf32, #tpu.memory_space<vmem>>) target_semaphore(%run_scoped3A : memref<!tpu.dma_semaphore, #tpu.memory_space<semaphore_mem>>)
        tpu.wait_dma2 semaphore(%run_scoped3A : memref<!tpu.dma_semaphore, #tpu.memory_space<semaphore_mem>>) src(%arg17 : memref<512xf32, #tpu.memory_space<vmem_shared>>) dst(%arg16 : memref<512xf32, #tpu.memory_space<vmem>>)
        tpu.yield
      }) : () -> ()
      %broadcast_in_dim3A_1090 = arith.constant 0.000000e+00 : f32
      %broadcast_in_dim3A_1091 = vector.broadcast %broadcast_in_dim3A_1090 : f32 to vector<16xf32>
      %broadcast_in_dim3A_1092 = arith.constant 0.000000e+00 : f32
      %broadcast_in_dim3A_1093 = vector.broadcast %broadcast_in_dim3A_1092 : f32 to vector<16xf32>
      %get3A_1094 = arith.constant 0 : index
      %get3A_1095 = tpu.vector_load %arg16[%get3A_1094] {strides = array<i32>} : memref<512xf32, #tpu.memory_space<vmem>>, vector<16xf32>,
      %add3A_1096 = arith.addf %broadcast_in_dim3A_1091, %get3A_1095 : vector<16xf32>
      %get3A_1097 = arith.constant 16 : index
      %get3A_1098 = tpu.vector_load %arg16[%get3A_1097] {strides = array<i32>} : memref<512xf32, #tpu.memory_space<vmem>>, vector<16xf32>,
      %add3A_1099 = arith.addf %broadcast_in_dim3A_1093, %get3A_1098 : vector<16xf32>
      %get3A_1100 = arith.constant 32 : index
      %get3A_1101 = tpu.vector_load %arg16[%get3A_1100] {strides = array<i32>} : memref<512xf32, #tpu.memory_space<vmem>>, vector<16xf32>,
      %add3A_1102 = arith.addf %add3A_1096, %get3A_1101 : vector<16xf32>
      %get3A_1103 = arith.constant 48 : index
      %get3A_1104 = tpu.vector_load %arg16[%get3A_1103] {strides = array<i32>} : memref<512xf32, #tpu.memory_space<vmem>>, vector<16xf32>,
      %add3A_1105 = arith.addf %add3A_1099, %get3A_1104 : vector<16xf32>
      %get3A_1106 = arith.constant 64 : index
      %get3A_1107 = tpu.vector_load %arg16[%get3A_1106] {strides = array<i32>} : memref<512xf32, #tpu.memory_space<vmem>>, vector<16xf32>,
      %add3A_1108 = arith.addf %add3A_1102, %get3A_1107 : vector<16xf32>
      %get3A_1109 = arith.constant 80 : index
      %get3A_1110 = tpu.vector_load %arg16[%get3A_1109] {strides = array<i32>} : memref<512xf32, #tpu.memory_space<vmem>>, vector<16xf32>,
      %add3A_1111 = arith.addf %add3A_1105, %get3A_1110 : vector<16xf32>
      %get3A_1112 = arith.constant 96 : index
      %get3A_1113 = tpu.vector_load %arg16[%get3A_1112] {strides = array<i32>} : memref<512xf32, #tpu.memory_space<vmem>>, vector<16xf32>,
      %add3A_1114 = arith.addf %add3A_1108, %get3A_1113 : vector<16xf32>
      %get3A_1115 = arith.constant 112 : index
      %get3A_1116 = tpu.vector_load %arg16[%get3A_1115] {strides = array<i32>} : memref<512xf32, #tpu.memory_space<vmem>>, vector<16xf32>,
      %add3A_1117 = arith.addf %add3A_1111, %get3A_1116 : vector<16xf32>
      %get3A_1118 = arith.constant 128 : index
      %get3A_1119 = tpu.vector_load %arg16[%get3A_1118] {strides = array<i32>} : memref<512xf32, #tpu.memory_space<vmem>>, vector<16xf32>,
      %add3A_1120 = arith.addf %add3A_1114, %get3A_1119 : vector<16xf32>
      %get3A_1121 = arith.constant 144 : index
      %get3A_1122 = tpu.vector_load %arg16[%get3A_1121] {strides = array<i32>} : memref<512xf32, #tpu.memory_space<vmem>>, vector<16xf32>,
      %add3A_1123 = arith.addf %add3A_1117, %get3A_1122 : vector<16xf32>
      %get3A_1124 = arith.constant 160 : index
      %get3A_1125 = tpu.vector_load %arg16[%get3A_1124] {strides = array<i32>} : memref<512xf32, #tpu.memory_space<vmem>>, vector<16xf32>,
      %add3A_1126 = arith.addf %add3A_1120, %get3A_1125 : vector<16xf32>
      %get3A_1127 = arith.constant 176 : index
      %get3A_1128 = tpu.vector_load %arg16[%get3A_1127] {strides = array<i32>} : memref<512xf32, #tpu.memory_space<vmem>>, vector<16xf32>,
      %add3A_1129 = arith.addf %add3A_1123, %get3A_1128 : vector<16xf32>
      %get3A_1130 = arith.constant 192 : index
      %get3A_1131 = tpu.vector_load %arg16[%get3A_1130] {strides = array<i32>} : memref<512xf32, #tpu.memory_space<vmem>>, vector<16xf32>,
      %add3A_1132 = arith.addf %add3A_1126, %get3A_1131 : vector<16xf32>
      %get3A_1133 = arith.constant 208 : index
      %get3A_1134 = tpu.vector_load %arg16[%get3A_1133] {strides = array<i32>} : memref<512xf32, #tpu.memory_space<vmem>>, vector<16xf32>,
      %add3A_1135 = arith.addf %add3A_1129, %get3A_1134 : vector<16xf32>
      %get3A_1136 = arith.constant 224 : index
      %get3A_1137 = tpu.vector_load %arg16[%get3A_1136] {strides = array<i32>} : memref<512xf32, #tpu.memory_space<vmem>>, vector<16xf32>,
      %add3A_1138 = arith.addf %add3A_1132, %get3A_1137 : vector<16xf32>
      %get3A_1139 = arith.constant 240 : index
      %get3A_1140 = tpu.vector_load %arg16[%get3A_1139] {strides = array<i32>} : memref<512xf32, #tpu.memory_space<vmem>>, vector<16xf32>,
      %add3A_1141 = arith.addf %add3A_1135, %get3A_1140 : vector<16xf32>
      %get3A_1142 = arith.constant 256 : index
      %get3A_1143 = tpu.vector_load %arg16[%get3A_1142] {strides = array<i32>} : memref<512xf32, #tpu.memory_space<vmem>>, vector<16xf32>,
      %add3A_1144 = arith.addf %add3A_1138, %get3A_1143 : vector<16xf32>
      %get3A_1145 = arith.constant 272 : index
      %get3A_1146 = tpu.vector_load %arg16[%get3A_1145] {strides = array<i32>} : memref<512xf32, #tpu.memory_space<vmem>>, vector<16xf32>,
      %add3A_1147 = arith.addf %add3A_1141, %get3A_1146 : vector<16xf32>
      %get3A_1148 = arith.constant 288 : index
      %get3A_1149 = tpu.vector_load %arg16[%get3A_1148] {strides = array<i32>} : memref<512xf32, #tpu.memory_space<vmem>>, vector<16xf32>,
      %add3A_1150 = arith.addf %add3A_1144, %get3A_1149 : vector<16xf32>
      %get3A_1151 = arith.constant 304 : index
      %get3A_1152 = tpu.vector_load %arg16[%get3A_1151] {strides = array<i32>} : memref<512xf32, #tpu.memory_space<vmem>>, vector<16xf32>,
      %add3A_1153 = arith.addf %add3A_1147, %get3A_1152 : vector<16xf32>
      %get3A_1154 = arith.constant 320 : index
      %get3A_1155 = tpu.vector_load %arg16[%get3A_1154] {strides = array<i32>} : memref<512xf32, #tpu.memory_space<vmem>>, vector<16xf32>,
      %add3A_1156 = arith.addf %add3A_1150, %get3A_1155 : vector<16xf32>
      %get3A_1157 = arith.constant 336 : index
      %get3A_1158 = tpu.vector_load %arg16[%get3A_1157] {strides = array<i32>} : memref<512xf32, #tpu.memory_space<vmem>>, vector<16xf32>,
      %add3A_1159 = arith.addf %add3A_1153, %get3A_1158 : vector<16xf32>
      %get3A_1160 = arith.constant 352 : index
      %get3A_1161 = tpu.vector_load %arg16[%get3A_1160] {strides = array<i32>} : memref<512xf32, #tpu.memory_space<vmem>>, vector<16xf32>,
      %add3A_1162 = arith.addf %add3A_1156, %get3A_1161 : vector<16xf32>
      %get3A_1163 = arith.constant 368 : index
      %get3A_1164 = tpu.vector_load %arg16[%get3A_1163] {strides = array<i32>} : memref<512xf32, #tpu.memory_space<vmem>>, vector<16xf32>,
      %add3A_1165 = arith.addf %add3A_1159, %get3A_1164 : vector<16xf32>
      %get3A_1166 = arith.constant 384 : index
      %get3A_1167 = tpu.vector_load %arg16[%get3A_1166] {strides = array<i32>} : memref<512xf32, #tpu.memory_space<vmem>>, vector<16xf32>,
      %add3A_1168 = arith.addf %add3A_1162, %get3A_1167 : vector<16xf32>
      %get3A_1169 = arith.constant 400 : index
      %get3A_1170 = tpu.vector_load %arg16[%get3A_1169] {strides = array<i32>} : memref<512xf32, #tpu.memory_space<vmem>>, vector<16xf32>,
      %add3A_1171 = arith.addf %add3A_1165, %get3A_1170 : vector<16xf32>
      %get3A_1172 = arith.constant 416 : index
      %get3A_1173 = tpu.vector_load %arg16[%get3A_1172] {strides = array<i32>} : memref<512xf32, #tpu.memory_space<vmem>>, vector<16xf32>,
      %add3A_1174 = arith.addf %add3A_1168, %get3A_1173 : vector<16xf32>
      %get3A_1175 = arith.constant 432 : index
      %get3A_1176 = tpu.vector_load %arg16[%get3A_1175] {strides = array<i32>} : memref<512xf32, #tpu.memory_space<vmem>>, vector<16xf32>,
      %add3A_1177 = arith.addf %add3A_1171, %get3A_1176 : vector<16xf32>
      %get3A_1178 = arith.constant 448 : index
      %get3A_1179 = tpu.vector_load %arg16[%get3A_1178] {strides = array<i32>} : memref<512xf32, #tpu.memory_space<vmem>>, vector<16xf32>,
      %add3A_1180 = arith.addf %add3A_1174, %get3A_1179 : vector<16xf32>
      %get3A_1181 = arith.constant 464 : index
      %get3A_1182 = tpu.vector_load %arg16[%get3A_1181] {strides = array<i32>} : memref<512xf32, #tpu.memory_space<vmem>>, vector<16xf32>,
      %add3A_1183 = arith.addf %add3A_1177, %get3A_1182 : vector<16xf32>
      %get3A_1184 = arith.constant 480 : index
      %get3A_1185 = tpu.vector_load %arg16[%get3A_1184] {strides = array<i32>} : memref<512xf32, #tpu.memory_space<vmem>>, vector<16xf32>,
      %add3A_1186 = arith.addf %add3A_1180, %get3A_1185 : vector<16xf32>
      %get3A_1187 = arith.constant 496 : index
      %get3A_1188 = tpu.vector_load %arg16[%get3A_1187] {strides = array<i32>} : memref<512xf32, #tpu.memory_space<vmem>>, vector<16xf32>,
      %add3A_1189 = arith.addf %add3A_1183, %get3A_1188 : vector<16xf32>
      %swap3A_1190 = arith.constant 0 : index
      %swap3A_1191 = tpu.vector_load %arg15[%swap3A_1190] {strides = array<i32>} : memref<32xf32, #tpu.memory_space<vmem>>, vector<16xf32>,
      tpu.vector_store %arg15[%swap3A_1190], %add3A_1186 {strides = array<i32>} : memref<32xf32, #tpu.memory_space<vmem>>, vector<16xf32>,
      %swap3A_1192 = arith.constant 16 : index
      %swap3A_1193 = tpu.vector_load %arg15[%swap3A_1192] {strides = array<i32>} : memref<32xf32, #tpu.memory_space<vmem>>, vector<16xf32>,
      tpu.vector_store %arg15[%swap3A_1192], %add3A_1189 {strides = array<i32>} : memref<32xf32, #tpu.memory_space<vmem>>, vector<16xf32>,
      "tpu.region"() ({
        %run_scoped3A = tpu.sem_alloc : memref<!tpu.dma_semaphore, #tpu.memory_space<semaphore_mem>>
        %dma_start3A_1194 = arith.constant 0 : i32
        %dma_start3A_1195 = tpu.memref_slice %arg6[%arg0, %dma_start3A_1194] : memref<2x32xf32, #tpu.memory_space<hbm>> -> memref<1x32xf32, #tpu.memory_space<hbm>>
        %dma_start3A_1196 = tpu.memref_squeeze %dma_start3A_1195 : memref<1x32xf32, #tpu.memory_space<hbm>> -> memref<32xf32, #tpu.memory_space<hbm>>
        %dma_start3A_1197 = arith.constant 0 : i32
        %dma_start3A_1198 = tpu.memref_slice %arg6[%arg0, %dma_start3A_1197] : memref<2x32xf32, #tpu.memory_space<hbm>> -> memref<1x32xf32, #tpu.memory_space<hbm>>
        %dma_start3A_1199 = tpu.memref_squeeze %dma_start3A_1198 : memref<1x32xf32, #tpu.memory_space<hbm>> -> memref<32xf32, #tpu.memory_space<hbm>>
        tpu.enqueue_dma source(%arg15 : memref<32xf32, #tpu.memory_space<vmem>>) target(%dma_start3A_1199 : memref<32xf32, #tpu.memory_space<hbm>>) target_semaphore(%run_scoped3A : memref<!tpu.dma_semaphore, #tpu.memory_space<semaphore_mem>>)
        %dma_wait3A_1200 = arith.constant 0 : i32
        %dma_wait3A_1201 = tpu.memref_slice %arg6[%arg0, %dma_wait3A_1200] : memref<2x32xf32, #tpu.memory_space<hbm>> -> memref<1x32xf32, #tpu.memory_space<hbm>>
        %dma_wait3A_1202 = tpu.memref_squeeze %dma_wait3A_1201 : memref<1x32xf32, #tpu.memory_space<hbm>> -> memref<32xf32, #tpu.memory_space<hbm>>
        %dma_wait3A_1203 = arith.constant 0 : i32
        %dma_wait3A_1204 = tpu.memref_slice %arg6[%arg0, %dma_wait3A_1203] : memref<2x32xf32, #tpu.memory_space<hbm>> -> memref<1x32xf32, #tpu.memory_space<hbm>>
        %dma_wait3A_1205 = tpu.memref_squeeze %dma_wait3A_1204 : memref<1x32xf32, #tpu.memory_space<hbm>> -> memref<32xf32, #tpu.memory_space<hbm>>
        tpu.wait_dma2 semaphore(%run_scoped3A : memref<!tpu.dma_semaphore, #tpu.memory_space<semaphore_mem>>) src(%arg15 : memref<32xf32, #tpu.memory_space<vmem>>) dst(%dma_wait3A_1205 : memref<32xf32, #tpu.memory_space<hbm>>)
        tpu.yield
      }) : () -> ()
    } else {
    }
    return
  }
}

module attributes {stable_mosaic.version = 14 : i64} {
  func.func @_combine_body(%arg0: memref<2x32xf32, #tpu.memory_space<vmem>>, %arg1: memref<1x1xf32, #tpu.memory_space<vmem>>) attributes {dimension_semantics = [], scalar_prefetch = 0 : i64, scratch_operands = 0 : i64, tpu.core_type = #tpu.core_type<tc>} {
    %get3A = arith.constant 0 : index
    %get3A_0 = arith.constant 0 : index
    %get3A_1 = vector.load %arg0[%get3A, %get3A_0] : memref<2x32xf32, #tpu.memory_space<vmem>>, vector<2x16xf32>
    %reduce_sum3A = vector.shape_cast %get3A_1 : vector<2x16xf32> to vector<1x2x16xf32>
    %reduce_sum3A_2 = arith.constant dense<0.000000e+00> : vector<1xf32>
    %reduce_sum3A_3 = vector.multi_reduction <add>, %reduce_sum3A, %reduce_sum3A_2 [1, 2] : vector<1x2x16xf32> to vector<1xf32>
    %reduce_sum3A_4 = vector.shape_cast %reduce_sum3A_3 : vector<1xf32> to vector<1x1x1xf32>
    %reduce_sum3A_5 = vector.extract %reduce_sum3A_4[0, 0, 0] : f32 from vector<1x1x1xf32>
    %get3A_6 = arith.constant 0 : index
    %get3A_7 = arith.constant 16 : index
    %get3A_8 = vector.load %arg0[%get3A_6, %get3A_7] : memref<2x32xf32, #tpu.memory_space<vmem>>, vector<2x16xf32>
    %reduce_sum3A_9 = vector.shape_cast %get3A_8 : vector<2x16xf32> to vector<1x2x16xf32>
    %reduce_sum3A_10 = arith.constant dense<0.000000e+00> : vector<1xf32>
    %reduce_sum3A_11 = vector.multi_reduction <add>, %reduce_sum3A_9, %reduce_sum3A_10 [1, 2] : vector<1x2x16xf32> to vector<1xf32>
    %reduce_sum3A_12 = vector.shape_cast %reduce_sum3A_11 : vector<1xf32> to vector<1x1x1xf32>
    %reduce_sum3A_13 = vector.extract %reduce_sum3A_12[0, 0, 0] : f32 from vector<1x1x1xf32>
    %add3A = arith.constant 9.99999974E-5 : f32
    %add3A_14 = arith.addf %reduce_sum3A_13, %add3A : f32
    %div3A = arith.divf %reduce_sum3A_5, %add3A_14 : f32
    %broadcast_in_dim3A = vector.broadcast %div3A : f32 to vector<1x1xf32>
    %swap3A = arith.constant 0 : index
    %swap3A_15 = arith.constant 0 : index
    %swap3A_16 = vector.load %arg1[%swap3A, %swap3A_15] : memref<1x1xf32, #tpu.memory_space<vmem>>, vector<1x1xf32>
    tpu.vector_store %arg1[%swap3A, %swap3A_15], %broadcast_in_dim3A {strides = array<i32>} : memref<1x1xf32, #tpu.memory_space<vmem>>, vector<1x1xf32>,
    return
  }
}

</mosaic_0001>

<sc_bundles>
// kernel: kernel.4.cloned.1.call-start
scs
__scs_entry_jumppad:
0x0: {  	(pc) =	sbr.rel $0x88, $3  }
0x1: {  	(tag) =	ssettag $0x0;
	lr =	simm.s32 $0x1  }
0x2: {  	[smem:$0x3F9D] =	sst lr;
	_ =	strace $0xD0000000  }
0x3: {  	_ = 	snop  }
0x4: {  	_ = 	snop  }
0x5: {  	_ = 	snop  }
0x6: {  	_ = 	snop  }
0x7: {  	_ = 	snop  }
__scs_overlays_trampoline_lowered:
0x8: {  	[smem:$0x3FAC] =	sst s0  }
0x9: {  	[smem:$0x3FAD] =	sst s1  }
0xa: {  	[smem:$0x3FAE] =	sst s2  }
0xb: {  	[smem:$0x3FAF] =	sst s3  }
0xc: {  	[smem:$0x3FB0] =	sst s4  }
0xd: {  	[smem:$0x3FB1] =	sst s5  }
0xe: {  	[smem:$0x3FB2] =	sst s6  }
0xf: {  	[smem:$0x3FB3] =	sst s7  }
0x10: {  	[smem:$0x3FB4] =	sst s8  }
0x11: {  	[smem:$0x3FB5] =	sst s9;
	s0 =	simm.s32 @!p0 $0x0  }
0x12: {  	s1 =	sld [smem:$0x3F9B];
	s0 =	simm.s32 @p0 $0x1  }
0x13: {  	[smem:$0x3FB6] =	sst s0;
	s0 =	simm.s32 @!p1 $0x0  }
0x14: {  	s2 =	sld [smem:$0x3F9A];
	s0 =	simm.s32 @p1 $0x1  }
0x15: {  	[smem:$0x3FB7] =	sst s0;
	s0 =	simm.s32 @!p2 $0x0  }
0x16: {  	s3 =	sld [smem:$0x3FDB];
	s0 =	simm.s32 @p2 $0x1  }
0x17: {  	s4 =	simm.s32 $0x1BF5;
	[smem:$0x3FB9] =	sst s0  }
0x18: {  	s0 =	sld [smem:$0x3F9C];
	_ =	swait.ge [sflag:s4], $0x0  }
0x19: {  	s7 =	sld [smem:$0x3F9D]  }
0x1a: {  	s8 =	sadd.s32 $0xFFFFE003, lr  }
0x1b: {  	s9 =	sadd.s32 $0xFFFFFEF7, lr;
	s5 =	simm.s32 $0xFFFFFFFF;
	p2 =	slt.u32 s8, $0xFFFFF086  }
0x1c: {  	p1 =	slt.u32 s9, $0xF7A;
	s5 =	simm.s32 @!p2 $0x0  }
0x1d: {  	s5 =	simm.s32 @p1 $0x1;
	p0 =	seq.s32 s7, s2  }
0x1e: {  	s7 =	smul.u32 @!p0 $0xF7A, s2;
	p2 =	seq.s32 @!p0 s5, $0x0  }
0x1f: {  	s9 =	smul.u32 $0xF7A, s1;
	s8 =	simm.s32 @!p0 $0x1BF5;
	p2 =	por !p2, p0  }
0x20: {  	[sflag:s8] =	ssyncset.s32 @!p0 $0xFFFFF086;
	s6 =	sadd.s32 @!p0 s3, s7;
	s7 =	simm.s32 @!p0 $0x108  }
0x21: {  	s3 =	sadd.s32 s3, s9;
	s6 =	sadd.s32 @!p0 $0x88, s6;
	s7 =	simm.s32 @p2 $0x1082  }
0x22: {  	[simem:s7], [sflag:s8] =	dma.local @!p0 [hbm:s6], $0xF7A  }
0x23: {  	s9 =	sor.u32 $0xD0000000, s2;
	s6 =	simm.s32 $0x108;
	_ =	swait.ge @!p0 [sflag:s8], $0x0  }
0x24: {  	s3 =	sadd.s32 $0x88, s3;
	s6 =	simm.s32 @!p1 $0x1082;
	[sflag:s4] =	ssyncset.s32 $0xFFFFF086  }
0x25: {  	[simem:s6], [sflag:s4] =	dma.local [hbm:s3], $0xF7A  }
0x26: {  	[smem:$0x3F9D] =	sst s1;
	(tag) =	ssettag s2;
	_ =	strace s9  }
0x27: {  	s1 =	sld [smem:$0x3FAD]  }
0x28: {  	s2 =	sld [smem:$0x3FAE]  }
0x29: {  	s4 =	sld [smem:$0x3FB0]  }
0x2a: {  	p0 =	seq.s32 s5, $0x0;
	s5 =	sld [smem:$0x3FB1]  }
0x2b: {  	s6 =	sld [smem:$0x3FB2]  }
0x2c: {  	s7 =	sld [smem:$0x3FB3]  }
0x2d: {  	s3 =	simm.s32 $0x108;
	s8 =	sld [smem:$0x3FB4]  }
0x2e: {  	s3 =	simm.s32 @!p0 $0x1082;
	s9 =	sld [smem:$0x3FB5]  }
0x2f: {  	lr =	sadd.s32 s0, s3;
	s0 =	sld [smem:$0x3FAC]  }
0x30: {  	s3 =	sld [smem:$0x3FAF]  }
0x31: {  	[smem:$0x3FB8] =	sst s10  }
0x32: {  	s10 =	sld [smem:$0x3FB6];
	_ =	sdelay $0x3  }
0x33: {  	p0 =	seq.s32 s10, $0x1;
	s10 =	sld [smem:$0x3FB8];
	_ =	sdelay $0x3  }
0x34: {  	[smem:$0x3FB8] =	sst s10  }
0x35: {  	s10 =	sld [smem:$0x3FB7];
	_ =	sdelay $0x3  }
0x36: {  	p1 =	seq.s32 s10, $0x1;
	s10 =	sld [smem:$0x3FB8];
	_ =	sdelay $0x3  }
0x37: {  	[smem:$0x3FB8] =	sst s10  }
0x38: {  	s10 =	sld [smem:$0x3FB9]  }
0x39: {  	_ = 	snop;
	(pc) =	sbr.ind lr, $3  }
0x3a: {  	_ = 	snop  }
0x3b: {  	_ = 	snop  }
0x3c: {  	p2 =	seq.s32 s10, $0x1;
	s10 =	sld [smem:$0x3FB8]  }
0x3d: {  	_ =	shalt  }
0x3e: {  	_ =	shalt  }
0x3f: {  	_ =	shalt  }
0x40: {  	_ =	shalt  }
0x41: {  	_ =	shalt  }
0x42: {  	_ =	shalt  }
0x43: {  	_ =	shalt  }
0x44: {  	_ =	shalt  }
0x45: {  	_ =	shalt  }
0x46: {  	_ =	shalt  }
0x47: {  	_ =	shalt  }
0x48: {  	_ =	shalt  }
0x49: {  	_ =	shalt  }
0x4a: {  	_ =	shalt  }
0x4b: {  	_ =	shalt  }
0x4c: {  	_ =	shalt  }
0x4d: {  	_ =	shalt  }
0x4e: {  	_ =	shalt  }
0x4f: {  	_ =	shalt  }
0x50: {  	_ =	shalt  }
0x51: {  	_ =	shalt  }
0x52: {  	_ =	shalt  }
0x53: {  	_ =	shalt  }
0x54: {  	_ =	shalt  }
0x55: {  	_ =	shalt  }
0x56: {  	_ =	shalt  }
0x57: {  	_ =	shalt  }
0x58: {  	_ =	shalt  }
0x59: {  	_ =	shalt  }
0x5a: {  	_ =	shalt  }
0x5b: {  	_ =	shalt  }
0x5c: {  	_ =	shalt  }
0x5d: {  	_ =	shalt  }
0x5e: {  	_ =	shalt  }
0x5f: {  	_ =	shalt  }
0x60: {  	_ =	shalt  }
0x61: {  	_ =	shalt  }
0x62: {  	_ =	shalt  }
0x63: {  	_ =	shalt  }
0x64: {  	_ =	shalt  }
0x65: {  	_ =	shalt  }
0x66: {  	_ =	shalt  }
0x67: {  	_ =	shalt  }
0x68: {  	_ =	shalt  }
0x69: {  	_ =	shalt  }
0x6a: {  	_ =	shalt  }
0x6b: {  	_ =	shalt  }
0x6c: {  	_ =	shalt  }
0x6d: {  	_ =	shalt  }
0x6e: {  	_ =	shalt  }
0x6f: {  	_ =	shalt  }
0x70: {  	_ =	shalt  }
0x71: {  	_ =	shalt  }
0x72: {  	_ =	shalt  }
0x73: {  	_ =	shalt  }
0x74: {  	_ =	shalt  }
0x75: {  	_ =	shalt  }
0x76: {  	_ =	shalt  }
0x77: {  	_ =	shalt  }
0x78: {  	_ =	shalt  }
0x79: {  	_ =	shalt  }
0x7a: {  	_ =	shalt  }
0x7b: {  	_ =	shalt  }
0x7c: {  	_ =	shalt  }
0x7d: {  	_ =	shalt  }
0x7e: {  	_ =	shalt  }
0x7f: {  	_ =	shalt  }
0x80: {  	_ =	shalt  }
0x81: {  	_ =	shalt  }
0x82: {  	_ =	shalt  }
0x83: {  	_ =	shalt  }
0x84: {  	_ =	shalt  }
0x85: {  	_ =	shalt  }
0x86: {  	_ =	shalt  }
0x87: {  	_ =	shalt  }
.Lfunc_end0:
.L_simem_size_0:
called_computation_lowered:
.L_overlay_start_0:
0x88: {  	s2 =	sld [smem:$0x3FD9]  }
0x89: {  	s3 =	sld [smem:$0x3FFE];
	_ =	sdelay $0x1  }
0x8a: {  	s1 =	srdreg.scid  }
0x8b: {  	s0 =	sand.u32 $0x1, s1  }
0x8c: {  	s17 =	sshll.u32 s0, $0xA;
	s2 =	sadd.s32 s3, s2  }
0x8d: {  	s2 =	sadd.s32 s2, s17  }
0x8e: {  	[smem:$0x3FC4] =	sst s2  }
0x8f: {  	_ = 	snop  }
0x90: {  	s2 =	sld [smem:$0x3FC9]  }
0x91: {  	s18 =	sld [smem:$0x3FC8]  }
0x92: {  	s4 =	sld [smem:$0x3FC7];
	(tm) =	ssettm $0x1  }
0x93: {  	s5 =	sld [smem:$0x3FFB];
	_ =	sdelay $0x3  }
0x94: {  	_ =	strace s5  }
0x95: {  	s5 =	sld [smem:$0x3FFC];
	_ =	sdelay $0x3  }
0x96: {  	_ =	strace s5  }
0x97: {  	s5 =	sld [smem:$0x3FFD];
	_ =	sdelay $0x3  }
0x98: {  	_ =	strace s5  }
0x99: {  	_ =	strace $0x8FFFFFFF  }
0x9a: {  	s19 =	sld [smem:$0x3FDB];
	_ =	sdelay $0x1  }
0x9b: {  	s6 =	simm.s32 $_scs_section_size  }
0x9c: {  	s7 =	simm.s32 $_size__tile_overlayer_lowered;
	s8 =	simm.s32 $_tile_overlayer_lowered  }
0x9d: {  	s22 =	simm.s32 $0x1BFF;
	s21 =	sshll.u32 s8, $0x1;
	s5 =	sadd.s32 s6, s19  }
0x9e: {  	s9 =	simm.s32 $0x0;
	s20 =	sshll.u32 s7, $0x1;
	s7 =	sadd.s32 s21, s5  }
0x9f: {  	[timem:s9], [sflag:s22] =	dma.local [hbm:s7], s20  }
0xa0: {  	_ =	swait.ge [sflag:s22], s20  }
0xa1: {  	s6 =	ssub.s32 $0x0, s20;
	[sflag:s22] =	ssyncset.done $0x0  }
0xa2: {  	[sflag:s22] =	ssyncadd.s32 s6;
	_ =	sdelay $0x1  }
0xa3: {  	s23 =	simm.s32 $0x1B8B  }
0xa4: {  	_ =	swait.ge [sflag:s23], $0x1  }
0xa5: {  	[sflag:s23] =	ssyncset.done $0x0  }
0xa6: {  	s25 =	simm.s32 $0x1B8E;
	s24 =	sld [smem:$0x3FFE];
	[sflag:s23] =	ssyncadd.s32 $0xFFFFFFFF  }
0xa7: {  	s26 =	simm.s32 $execute0_lowered;
	[smem:$0x3FD2] =	sst s25  }
0xa8: {  	s7 =	sshll.u32 s26, $0x1;
	_ =	strace $0x80000046;
	[dreg:$0x1] =	wrdreg $0xFFFFFFFF  }
0xa9: {  	s28 =	simm.s32 $_size_execute0_lowered;
	s5 =	sadd.s32 s5, s7;
	[dreg:$0x0] =	wrdreg $0x0  }
0xaa: {  	s7 =	sshll.u32 s28, $0x1;
	[dreg:$0x2] =	wrdreg s5  }
0xab: {  	[dreg:$0x3] =	wrdreg s7  }
0xac: {  	[dreg:$0x4] =	wrdreg $0xC0  }
0xad: {  	_ =	task [dreg:s9], $0x5FFFF  }
0xae: {  	[dreg:$0x1] =	wrdreg $0xFFFFFFFF  }
0xaf: {  	[dreg:$0x0] =	wrdreg $0x60  }
0xb0: {  	[dreg:$0x2] =	wrdreg s2  }
0xb1: {  	[dreg:$0x3] =	wrdreg s4  }
0xb2: {  	[dreg:$0x4] =	wrdreg s18  }
0xb3: {  	[dreg:$0x5] =	wrdreg s24  }
0xb4: {  	[dreg:$0x6] =	wrdreg $0x107800  }
0xb5: {  	[dreg:$0x7] =	wrdreg $0x9  }
0xb6: {  	_ =	task.clear_ibuf [dreg:s9], $0x8FFFF;
	_ =	strace $0x90000046  }
0xb7: {  	s29 =	simm.s32 $0x9;
	_ =	strace $0x80000048  }
0xb8: {  	_ =	swait.ge [sflag:s29], $0x1  }
0xb9: {  	[sflag:s29] =	ssyncadd.s32 $0xFFFFFFFF  }
0xba: {  	_ =	strace $0x90000048  }
0xbb: {  	_ =	sfence  }
0xbc: {  	s30 =	sld [smem:$0x0];
	_ =	sdelay $0x2  }
0xbd: {  	s31 =	sshll.u32 s1, $0xD;
	s1 =	sshrl.u32 s1, $0x2  }
0xbe: {  	s3 =	sand.u32 $0x4000, s31;
	s1 =	sadd.s32 s1, s30  }
0xbf: {  	s0 =	sor.u32 s3, s0;
	s1 =	sshll.u32 s1, $0x11  }
0xc0: {  	s0 =	sor.u32 s1, s0  }
0xc1: {  	s0 =	sadd.s32 $0x8F2B, s0  }
0xc2: {  	[sflag:s0] =	ssyncadd.remote.s32 $0x1  }
0xc3: {  	_ =	sfence.sel $0xFFFF  }
0xc4: {  	[dreg:$0x0] =	wrdreg $0xFFFFFFFF;
	(pc) =	sbr.abs _section_cstart, $3  }
0xc5: {  	[dreg:$0x1] =	wrdreg $0xFFFFFFFF  }
0xc6: {  	_ =	task.clear_ibuf [dreg:s9], $0x2FFFF;
	_ =	strace $0x9FFFFFFF  }
0xc7: {  	(tm) =	ssettm $0x7FFFFFFF  }
tec
execute0_lowered:
.L_overlay_start_1:
0x0: {  	(tag) =	ssettag $0x1  }
0x1: {  	v19 =	vlaneseq.u32  }
0x2: {  	vm0 =	vmmov $0xffff;
	v6 =	vimm.s32 $0x1380;
	vm15 =	vcmask $0x300  }
0x3: {  	vm14 =	vcmask $0x704;
	vm13 =	vcmask $0xB08;
	vm12 =	vcmask $0xF0C  }
0x4: {  	vm11 =	vcmask $0x1310;
	vm10 =	vcmask $0x1714;
	vm8 =	vcmask $0x1B18  }
0x5: {  	vm9 =	vcmask $0x1F1C;
	vm7 =	vcmask $0x2320;
	vm6 =	vcmask $0x2724  }
0x6: {  	vm5 =	vcmask $0x2B28;
	vm4 =	vcmask $0x2F2C;
	vm1 =	vcmask $0x3330  }
0x7: {  	vm2 =	vcmask $0x3734;
	vm3 =	vcmask $0x3B38;
	v7 =	vsel vm15, $0x0, v6  }
0x8: {  	v22 =	vimm.s32 $0x5380;
	v23 =	vimm.s32 $0x7380;
	v8 =	vsel vm14, $0x80, v7  }
0x9: {  	s0 =	srdreg.scid;
	v0 =	vand.u32 $0x1, v19;
	v20 =	vshrl.u32 v19, $0x3;
	v9 =	vsel vm13, $0x100, v8  }
0xa: {  	s5 =	sand.u32 $0x1, s0;
	v22 =	vsel vm15, $0x4000, v22;
	v23 =	vsel vm15, $0x6000, v23;
	v10 =	vsel vm12, $0x180, v9  }
0xb: {  	s1 =	stileid.u32;
	s4 =	sshll.u32 s5, $0x4;
	v0 =	vmul.u32 $0x200, v0;
	v22 =	vsel vm14, $0x4080, v22;
	v11 =	vsel vm11, $0x200, v10  }
0xc: {  	s24 =	sand.u32 $0x1, s1;
	v23 =	vsel vm14, $0x6080, v23;
	s2 =	sor.u32 s1, s4;
	v22 =	vsel vm13, $0x4100, v22;
	v12 =	vsel vm10, $0x280, v11  }
0xd: {  	p1 =	seq.s32 s24, $0x1;
	v23 =	vsel vm13, $0x6100, v23;
	p0 =	seq.s32 s2, $0x0;
	v22 =	vsel vm12, $0x4180, v22;
	v13 =	vsel vm8, $0x300, v12  }
0xe: {  	v23 =	vsel vm12, $0x6180, v23;
	p0 =	por !p0, !p1;
	v22 =	vsel vm11, $0x4200, v22;
	v14 =	vsel vm9, $0x380, v13  }
0xf: {  	s0 =	simm.s32 $0xFFFFFFFF;
	v23 =	vsel vm11, $0x6200, v23;
	p0 =	por !p0, !p0;
	v22 =	vsel vm10, $0x4280, v22;
	v15 =	vsel vm7, $0x1000, v14  }
0x10: {  	v23 =	vsel vm10, $0x6280, v23;
	s0 =	simm.s32 @!p0 $0x0;
	v22 =	vsel vm8, $0x4300, v22;
	v16 =	vsel vm6, $0x1080, v15  }
0x11: {  	s6 =	rddreg [dreg:$0x1];
	v23 =	vsel vm8, $0x6300, v23;
	s0 =	sshll.u32 s0, $0x1;
	v22 =	vsel vm9, $0x4380, v22;
	v17 =	vsel vm5, $0x1100, v16  }
0x12: {  	s7 =	rddreg [dreg:$0x2];
	v23 =	vsel vm9, $0x6380, v23;
	s0 =	sadd.s32 s2, s0;
	v22 =	vsel vm7, $0x5000, v22;
	v18 =	vsel vm4, $0x1180, v17  }
0x13: {  	s8 =	rddreg [dreg:$0x3];
	v23 =	vsel vm7, $0x7000, v23;
	s0 =	sand.u32 $0x7FFFFE, s0;
	v22 =	vsel vm6, $0x5080, v22;
	v18 =	vsel vm1, $0x1200, v18  }
0x14: {  	s11 =	rddreg [dreg:$0x4];
	v23 =	vsel vm6, $0x7080, v23;
	v1 =	vmov s0;
	v21 =	vsel vm2, $0x1280, v18  }
0x15: {  	s3 =	simm.s32 $0x0;
	s12 =	simm.s32 $0x80;
	s22 =	simm.s32 $0x400;
	v18 =	vmul.u32 $0x8, v20;
	v20 =	vsel vm3, $0x1300, v21;
	v21 =	vimm.s32 $0x3380  }
0x16: {  	s30 =	simm.s32 $0xC00;
	s13 =	simm.s32 $0x2400;
	s15 =	simm.s32 $0x4C00;
	v22 =	vsel vm5, $0x5100, v22;
	v23 =	vsel vm5, $0x7100, v23;
	v21 =	vsel vm15, $0x2000, v21  }
0x17: {  	s16 =	simm.s32 $0x5400;
	s17 =	simm.s32 $0x5C00;
	s18 =	simm.s32 $0x6400;
	v1 =	vshll.u32 v1, $0x9;
	v17 =	vand.u32 $0x7, v19;
	v21 =	vsel vm14, $0x2080, v21  }
0x18: {  	s19 =	simm.s32 $0x6C00;
	s20 =	simm.s32 $0x7400;
	s21 =	simm.s32 $0x7C00;
	v22 =	vsel vm4, $0x5180, v22;
	v23 =	vsel vm4, $0x7180, v23;
	v21 =	vsel vm13, $0x2100, v21  }
0x19: {  	s23 =	simm.s32 $0x1;
	s28 =	simm.s32 $0xB400;
	s31 =	simm.s32 $0xBC00;
	v0 =	vor.u32 v0, v1;
	v1 =	vshrl.u32 v19, $0x1;
	v21 =	vsel vm12, $0x2180, v21  }
0x1a: {  	[smem:$0x7FF] =	sst s3;
	s25 =	sshll.u32 s1, $0x5;
	s5 =	ssub.s32 $0x2, s5;
	v19 =	vor.u32 $0x8, v19;
	v22 =	vsel vm1, $0x5200, v22;
	v21 =	vsel vm11, $0x2200, v21  }
0x1b: {  	s10 =	sshrl.u32 s5, $0x1;
	s4 =	sadd.s32 s4, s8;
	s9 =	sshll.u32 s2, $0x5;
	v23 =	vsel vm1, $0x7200, v23;
	v2 =	vor.u32 $0x8, v1;
	v21 =	vsel vm10, $0x2280, v21  }
0x1c: {  	s5 =	ssub.s32 s5, s10;
	s29 =	sadd.s32 $0xA00, s4;
	s9 =	sadd.s32 s9, s8;
	v3 =	vor.u32 $0x10, v1;
	v4 =	vor.u32 $0x18, v1;
	v21 =	vsel vm8, $0x2300, v21  }
0x1d: {  	s10 =	smax.u32 s5, $0x1;
	s5 =	simm.s32 $0x3400;
	s2 =	sshll.u32 s2, $0x4;
	v5 =	vor.u32 $0x20, v1;
	v6 =	vor.u32 $0x28, v1;
	v21 =	vsel vm9, $0x2380, v21  }
0x1e: {  	s8 =	simm.s32 $0x4400;
	s6 =	sadd.s32 s6, s2;
	s0 =	rddreg [dreg:$0x0];
	v7 =	vor.u32 $0x30, v1;
	v8 =	vor.u32 $0x38, v1;
	v21 =	vsel vm7, $0x3000, v21  }
0x1f: {  	s2 =	sadd.s32 s7, s2;
	_ =	strace $0x80000047;
	[dreg:$0x7] =	wrdreg s6;
	v9 =	vor.u32 $0x40, v1;
	v10 =	vor.u32 $0x48, v1;
	v21 =	vsel vm6, $0x3080, v21  }
.Ltmp0:
0x20: {  	s26 =	sadd.s32 $0x600, s9;
	[dreg:$0x8] =	wrdreg s2;
	v11 =	vor.u32 $0x50, v1;
	v12 =	vor.u32 $0x58, v1;
	v21 =	vsel vm5, $0x3100, v21;
	(pc) =	sbr.rel .LBB2_1-.Ltmp0, $4  }
0x21: {  	s9 =	simm.s32 $0x1C00;
	p0 =	sne.s32 s1, $0x0;
	[dreg:$0x9] =	wrdreg s26;
	v13 =	vor.u32 $0x60, v1;
	v14 =	vor.u32 $0x68, v1;
	v21 =	vsel vm4, $0x3180, v21  }
0x22: {  	s1 =	simm.s32 $0x8400;
	s2 =	sadd.s32 s25, s11;
	[dreg:$0x6] =	wrdreg s29;
	v15 =	vor.u32 $0x70, v1;
	v16 =	vor.u32 $0x78, v1;
	v21 =	vsel vm1, $0x3200, v21  }
0x23: {  	s11 =	simm.s32 $0x3;
	s6 =	simm.s32 $0x3C00;
	s25 =	simm.s32 $0xA400;
	v22 =	vsel vm2, $0x5280, v22;
	v23 =	vsel vm2, $0x7280, v23;
	v21 =	vsel vm2, $0x3280, v21  }
0x24: {  	s26 =	simm.s32 $0xAC00;
	s7 =	sadd.s32 $0x100, s0;
	[dreg:$0xa] =	wrdreg s2;
	v22 =	vsel vm3, $0x5300, v22;
	v23 =	vsel vm3, $0x7300, v23;
	v21 =	vsel vm3, $0x3300, v21  }
.LBB2_3:
0x25: {  	s10 =	sadd.s32 $0xFFFFFFFF, s10  }
0x26: {  	p1 =	sne.s32 s10, $0x0  }
.Ltmp1:
0x27: {  	_ = 	snop;
	(pc) =	sbr.rel @!p1 .LBB2_4-.Ltmp1, $1  }
0x28: {  	_ =	sdelay $0x3  }
.LBB2_1:
0x29: {  	s2 =	rddreg [dreg:$0x7]  }
0x2a: {  	[tilespmem:s3], [sflag:$0x3] =	stream.linear.gather [hbm4b:s2+s3], $0x80, $0x38;
	[tilespmem:$0x107A0] =	vst v63  }
0x2b: {  	_ =	swait.ge [sflag:s11], $0x80  }
0x2c: {  	[sflag:s11] =	ssyncset.done $0x0  }
0x2d: {  	s24 =	rddreg [dreg:$0x8];
	[sflag:s11] =	ssyncadd.s32 $0xFFFFFF80  }
0x2e: {  	[tilespmem:s12], [sflag:$0x3] =	stream.linear.gather [hbm4b:s24+s3], $0x80, $0x38;
	[tilespmem:$0x107A0] =	vst v63  }
0x2f: {  	_ =	swait.ge [sflag:s11], $0x80  }
0x30: {  	[sflag:s11] =	ssyncset.done $0x0  }
0x31: {  	s29 =	simm.s32 $0x100;
	s4 =	rddreg [dreg:$0x9];
	[sflag:s11] =	ssyncadd.s32 $0xFFFFFF80  }
0x32: {  	[tilespmem:s29], [sflag:$0x3] =	stream.linear.gather [hbm4b:s4+s3], $0x100, $0x38;
	[tilespmem:$0x107A0] =	vst v63  }
0x33: {  	_ =	swait.ge [sflag:s11], $0x100  }
0x34: {  	[sflag:s11] =	ssyncset.done $0x0  }
0x35: {  	[sflag:s11] =	ssyncadd.s32 $0xFFFFFF00  }
0x36: {  	v24 =	vld.idx.msk [tilespmem:v1+s3+$0x0], $0xffff;
	_ =	sdelay $0x4  }
0x37: {  	v25 =	vshra.s32 v24, $0x9;
	v24 =	vand.u32 $0x1FF, v24  }
0x38: {  	v25 =	vadd.s32 v0, v25;
	[tilespmem:$0x300] =	vst v24  }
0x39: {  	[tilespmem:$0x200] =	vst v25  }
0x3a: {  	v24 =	vld.idx.msk [tilespmem:v2+s3+$0x0], $0xffff;
	_ =	sdelay $0x4  }
0x3b: {  	v53 =	vshra.s32 v24, $0x9;
	v24 =	vand.u32 $0x1FF, v24  }
0x3c: {  	v25 =	vadd.s32 v0, v53;
	[tilespmem:$0x310] =	vst v24  }
0x3d: {  	[tilespmem:$0x210] =	vst v25  }
0x3e: {  	v24 =	vld.idx.msk [tilespmem:v3+s3+$0x0], $0xffff;
	_ =	sdelay $0x4  }
0x3f: {  	v54 =	vshra.s32 v24, $0x9;
	v24 =	vand.u32 $0x1FF, v24  }
0x40: {  	v25 =	vadd.s32 v0, v54;
	[tilespmem:$0x320] =	vst v24  }
0x41: {  	[tilespmem:$0x220] =	vst v25  }
0x42: {  	v24 =	vld.idx.msk [tilespmem:v4+s3+$0x0], $0xffff;
	_ =	sdelay $0x4  }
0x43: {  	v55 =	vshra.s32 v24, $0x9;
	v24 =	vand.u32 $0x1FF, v24  }
0x44: {  	v25 =	vadd.s32 v0, v55;
	[tilespmem:$0x330] =	vst v24  }
0x45: {  	[tilespmem:$0x230] =	vst v25  }
0x46: {  	v24 =	vld.idx.msk [tilespmem:v5+s3+$0x0], $0xffff;
	_ =	sdelay $0x4  }
0x47: {  	v56 =	vshra.s32 v24, $0x9;
	v24 =	vand.u32 $0x1FF, v24  }
0x48: {  	v25 =	vadd.s32 v0, v56;
	[tilespmem:$0x340] =	vst v24  }
0x49: {  	[tilespmem:$0x240] =	vst v25  }
0x4a: {  	v24 =	vld.idx.msk [tilespmem:v6+s3+$0x0], $0xffff;
	_ =	sdelay $0x4  }
0x4b: {  	v57 =	vshra.s32 v24, $0x9;
	v24 =	vand.u32 $0x1FF, v24  }
0x4c: {  	v25 =	vadd.s32 v0, v57;
	[tilespmem:$0x350] =	vst v24  }
0x4d: {  	[tilespmem:$0x250] =	vst v25  }
0x4e: {  	v24 =	vld.idx.msk [tilespmem:v7+s3+$0x0], $0xffff;
	_ =	sdelay $0x4  }
0x4f: {  	v58 =	vshra.s32 v24, $0x9;
	v24 =	vand.u32 $0x1FF, v24  }
0x50: {  	v25 =	vadd.s32 v0, v58;
	[tilespmem:$0x360] =	vst v24  }
0x51: {  	[tilespmem:$0x260] =	vst v25  }
0x52: {  	v24 =	vld.idx.msk [tilespmem:v8+s3+$0x0], $0xffff;
	_ =	sdelay $0x4  }
0x53: {  	v59 =	vshra.s32 v24, $0x9;
	v24 =	vand.u32 $0x1FF, v24  }
0x54: {  	v25 =	vadd.s32 v0, v59;
	[tilespmem:$0x370] =	vst v24  }
0x55: {  	[tilespmem:$0x270] =	vst v25  }
0x56: {  	v24 =	vld.idx.msk [tilespmem:v9+s3+$0x0], $0xffff;
	_ =	sdelay $0x4  }
0x57: {  	v60 =	vshra.s32 v24, $0x9;
	v24 =	vand.u32 $0x1FF, v24  }
0x58: {  	v25 =	vadd.s32 v0, v60;
	[tilespmem:$0x380] =	vst v24  }
0x59: {  	[tilespmem:$0x280] =	vst v25  }
0x5a: {  	v24 =	vld.idx.msk [tilespmem:v10+s3+$0x0], $0xffff;
	_ =	sdelay $0x4  }
0x5b: {  	v61 =	vshra.s32 v24, $0x9;
	v24 =	vand.u32 $0x1FF, v24  }
0x5c: {  	v25 =	vadd.s32 v0, v61;
	[tilespmem:$0x390] =	vst v24  }
0x5d: {  	[tilespmem:$0x290] =	vst v25  }
0x5e: {  	v24 =	vld.idx.msk [tilespmem:v11+s3+$0x0], $0xffff;
	_ =	sdelay $0x4  }
0x5f: {  	v62 =	vshra.s32 v24, $0x9;
	v24 =	vand.u32 $0x1FF, v24  }
0x60: {  	v25 =	vadd.s32 v0, v62;
	[tilespmem:$0x3A0] =	vst v24  }
0x61: {  	[tilespmem:$0x2A0] =	vst v25  }
0x62: {  	v24 =	vld.idx.msk [tilespmem:v12+s3+$0x0], $0xffff;
	_ =	sdelay $0x4  }
0x63: {  	v63 =	vshra.s32 v24, $0x9;
	v24 =	vand.u32 $0x1FF, v24  }
0x64: {  	v25 =	vadd.s32 v0, v63;
	[tilespmem:$0x3B0] =	vst v24  }
0x65: {  	[tilespmem:$0x2B0] =	vst v25  }
0x66: {  	v24 =	vld.idx.msk [tilespmem:v13+s3+$0x0], $0xffff;
	_ =	sdelay $0x4  }
0x67: {  	v28 =	vshra.s32 v24, $0x9;
	v24 =	vand.u32 $0x1FF, v24  }
0x68: {  	v25 =	vadd.s32 v0, v28;
	[tilespmem:$0x3C0] =	vst v24  }
0x69: {  	[tilespmem:$0x2C0] =	vst v25  }
0x6a: {  	v24 =	vld.idx.msk [tilespmem:v14+s3+$0x0], $0xffff;
	_ =	sdelay $0x4  }
0x6b: {  	v29 =	vshra.s32 v24, $0x9;
	v24 =	vand.u32 $0x1FF, v24  }
0x6c: {  	v25 =	vadd.s32 v0, v29;
	[tilespmem:$0x3D0] =	vst v24  }
0x6d: {  	[tilespmem:$0x2D0] =	vst v25  }
0x6e: {  	v24 =	vld.idx.msk [tilespmem:v15+s3+$0x0], $0xffff  }
0x6f: {  	v30 =	vld [tilespmem:$0x200];
	_ =	sdelay $0x3  }
0x70: {  	v26 =	vshra.s32 v24, $0x9;
	v24 =	vand.u32 $0x1FF, v24  }
0x71: {  	v31 =	vshll.u32 v30, $0x2;
	v26 =	vadd.s32 v0, v26;
	[tilespmem:$0x3E0] =	vst v24  }
0x72: {  	v25 =	vand.u32 $0x7, v30;
	v24 =	vand.u32 $0xFFFFFFE0, v31;
	[tilespmem:$0x2E0] =	vst v26  }
0x73: {  	v24 =	vor.u32 v25, v24;
	v26 =	vld.idx.msk [tilespmem:v16+s3+$0x0], $0xffff  }
0x74: {  	v25 =	vperm.xlane v24, v17;
	_ =	sdelay $0x1  }
0x75: {  	v25 =	vadd.s32 v18, v25;
	_ =	sdelay $0x1  }
0x76: {  	v24 =	vperm.xlane v24, v19;
	v27 =	vshra.s32 v26, $0x9;
	v26 =	vand.u32 $0x1FF, v26  }
0x77: {  	v27 =	vadd.s32 v0, v27;
	[tilespmem:$0x3F0] =	vst v26  }
0x78: {  	v24 =	vadd.s32 v18, v24;
	[tilespmem:$0x2F0] =	vst v27  }
0x79: {  	[tilespmem:s22], [sflag:$0x1] =	stream.indirect_vreg.gather [hbm4b:s0+s3], $0x80, v25, vm0, $0xb8;
	[tilespmem:$0x107A0] =	vst v63  }
0x7a: {  	_ = 	snop  }
0x7b: {  	[tilespmem:s30], [sflag:$0x1] =	stream.indirect_vreg.gather [hbm4b:s7+s3], $0x80, v25, vm0, $0xb8;
	[tilespmem:$0x107A0] =	vst v63  }
0x7c: {  	s2 =	simm.s32 $0x1400  }
0x7d: {  	[tilespmem:s2], [sflag:$0x1] =	stream.indirect_vreg.gather [hbm4b:s0+s3], $0x80, v24, vm0, $0xb8;
	[tilespmem:$0x107A0] =	vst v63  }
0x7e: {  	_ = 	snop  }
0x7f: {  	[tilespmem:s9], [sflag:$0x1] =	stream.indirect_vreg.gather [hbm4b:s7+s3], $0x80, v24, vm0, $0xb8;
	[tilespmem:$0x107A0] =	vst v63  }
0x80: {  	v24 =	vld [tilespmem:$0x210];
	_ =	sdelay $0x4  }
0x81: {  	v32 =	vshll.u32 v24, $0x2  }
0x82: {  	v24 =	vand.u32 $0x7, v24;
	v25 =	vand.u32 $0xFFFFFFE0, v32  }
0x83: {  	v24 =	vor.u32 v24, v25  }
0x84: {  	v25 =	vperm.xlane v24, v17;
	_ =	sdelay $0x1  }
0x85: {  	v25 =	vadd.s32 v18, v25;
	_ =	sdelay $0x1  }
0x86: {  	v24 =	vperm.xlane v24, v19;
	_ =	sdelay $0x1  }
0x87: {  	v24 =	vadd.s32 v18, v24  }
0x88: {  	[tilespmem:s13], [sflag:$0x1] =	stream.indirect_vreg.gather [hbm4b:s0+s3], $0x80, v25, vm0, $0xb8;
	[tilespmem:$0x107A0] =	vst v63  }
0x89: {  	s4 =	simm.s32 $0x2C00  }
0x8a: {  	[tilespmem:s4], [sflag:$0x1] =	stream.indirect_vreg.gather [hbm4b:s7+s3], $0x80, v25, vm0, $0xb8;
	[tilespmem:$0x107A0] =	vst v63  }
0x8b: {  	_ = 	snop  }
0x8c: {  	[tilespmem:s5], [sflag:$0x1] =	stream.indirect_vreg.gather [hbm4b:s0+s3], $0x80, v24, vm0, $0xb8;
	[tilespmem:$0x107A0] =	vst v63  }
0x8d: {  	_ = 	snop  }
0x8e: {  	[tilespmem:s6], [sflag:$0x1] =	stream.indirect_vreg.gather [hbm4b:s7+s3], $0x80, v24, vm0, $0xb8;
	[tilespmem:$0x107A0] =	vst v63  }
0x8f: {  	v24 =	vld [tilespmem:$0x220];
	_ =	sdelay $0x4  }
0x90: {  	v33 =	vshll.u32 v24, $0x2  }
0x91: {  	v24 =	vand.u32 $0x7, v24;
	v25 =	vand.u32 $0xFFFFFFE0, v33  }
0x92: {  	v24 =	vor.u32 v24, v25  }
0x93: {  	v25 =	vperm.xlane v24, v17;
	_ =	sdelay $0x1  }
0x94: {  	v25 =	vadd.s32 v18, v25;
	_ =	sdelay $0x1  }
0x95: {  	v24 =	vperm.xlane v24, v19;
	_ =	sdelay $0x1  }
0x96: {  	v24 =	vadd.s32 v18, v24  }
0x97: {  	[tilespmem:s8], [sflag:$0x1] =	stream.indirect_vreg.gather [hbm4b:s0+s3], $0x80, v25, vm0, $0xb8;
	[tilespmem:$0x107A0] =	vst v63  }
0x98: {  	_ = 	snop  }
0x99: {  	[tilespmem:s15], [sflag:$0x1] =	stream.indirect_vreg.gather [hbm4b:s7+s3], $0x80, v25, vm0, $0xb8;
	[tilespmem:$0x107A0] =	vst v63  }
0x9a: {  	_ = 	snop  }
0x9b: {  	[tilespmem:s16], [sflag:$0x1] =	stream.indirect_vreg.gather [hbm4b:s0+s3], $0x80, v24, vm0, $0xb8;
	[tilespmem:$0x107A0] =	vst v63  }
0x9c: {  	_ = 	snop  }
0x9d: {  	[tilespmem:s17], [sflag:$0x1] =	stream.indirect_vreg.gather [hbm4b:s7+s3], $0x80, v24, vm0, $0xb8;
	[tilespmem:$0x107A0] =	vst v63  }
0x9e: {  	v24 =	vld [tilespmem:$0x230];
	_ =	sdelay $0x4  }
0x9f: {  	v34 =	vshll.u32 v24, $0x2  }
0xa0: {  	v24 =	vand.u32 $0x7, v24;
	v25 =	vand.u32 $0xFFFFFFE0, v34  }
0xa1: {  	v24 =	vor.u32 v24, v25  }
0xa2: {  	v25 =	vperm.xlane v24, v17;
	_ =	sdelay $0x1  }
0xa3: {  	v25 =	vadd.s32 v18, v25;
	_ =	sdelay $0x1  }
0xa4: {  	v24 =	vperm.xlane v24, v19;
	_ =	sdelay $0x1  }
0xa5: {  	v24 =	vadd.s32 v18, v24  }
0xa6: {  	[tilespmem:s18], [sflag:$0x1] =	stream.indirect_vreg.gather [hbm4b:s0+s3], $0x80, v25, vm0, $0xb8;
	[tilespmem:$0x107A0] =	vst v63  }
0xa7: {  	_ = 	snop  }
0xa8: {  	[tilespmem:s19], [sflag:$0x1] =	stream.indirect_vreg.gather [hbm4b:s7+s3], $0x80, v25, vm0, $0xb8;
	[tilespmem:$0x107A0] =	vst v63  }
0xa9: {  	_ = 	snop  }
0xaa: {  	[tilespmem:s20], [sflag:$0x1] =	stream.indirect_vreg.gather [hbm4b:s0+s3], $0x80, v24, vm0, $0xb8;
	[tilespmem:$0x107A0] =	vst v63  }
0xab: {  	_ = 	snop  }
0xac: {  	[tilespmem:s21], [sflag:$0x1] =	stream.indirect_vreg.gather [hbm4b:s7+s3], $0x80, v24, vm0, $0xb8;
	[tilespmem:$0x107A0] =	vst v63  }
0xad: {  	_ =	swait.ge [sflag:s23], $0x8000  }
0xae: {  	[sflag:s23] =	ssyncset.done $0x0  }
0xaf: {  	[sflag:s23] =	ssyncadd.s32 $0xFFFF8000  }
0xb0: {  	v35 =	vld [tilespmem:$0x240];
	_ =	sdelay $0x4  }
0xb1: {  	v36 =	vshll.u32 v35, $0x2  }
0xb2: {  	v24 =	vand.u32 $0x7, v35;
	v25 =	vand.u32 $0xFFFFFFE0, v36  }
0xb3: {  	v24 =	vor.u32 v24, v25  }
0xb4: {  	v25 =	vperm.xlane v24, v17;
	_ =	sdelay $0x1  }
0xb5: {  	v25 =	vadd.s32 v18, v25;
	_ =	sdelay $0x1  }
0xb6: {  	v24 =	vperm.xlane v24, v19;
	_ =	sdelay $0x1  }
0xb7: {  	v24 =	vadd.s32 v18, v24  }
0xb8: {  	[tilespmem:s1], [sflag:$0x2] =	stream.indirect_vreg.gather [hbm4b:s0+s3], $0x80, v25, vm0, $0xb8;
	[tilespmem:$0x107A0] =	vst v63  }
0xb9: {  	s14 =	simm.s32 $0x8C00  }
0xba: {  	[tilespmem:s14], [sflag:$0x2] =	stream.indirect_vreg.gather [hbm4b:s7+s3], $0x80, v25, vm0, $0xb8;
	[tilespmem:$0x107A0] =	vst v63  }
0xbb: {  	s29 =	simm.s32 $0x9400  }
0xbc: {  	[tilespmem:s29], [sflag:$0x2] =	stream.indirect_vreg.gather [hbm4b:s0+s3], $0x80, v24, vm0, $0xb8;
	[tilespmem:$0x107A0] =	vst v63  }
0xbd: {  	s24 =	simm.s32 $0x9C00  }
0xbe: {  	[tilespmem:s24], [sflag:$0x2] =	stream.indirect_vreg.gather [hbm4b:s7+s3], $0x80, v24, vm0, $0xb8;
	[tilespmem:$0x107A0] =	vst v63  }
0xbf: {  	v24 =	vld [tilespmem:$0x250];
	_ =	sdelay $0x4  }
0xc0: {  	v37 =	vshll.u32 v24, $0x2  }
0xc1: {  	v24 =	vand.u32 $0x7, v24;
	v25 =	vand.u32 $0xFFFFFFE0, v37  }
0xc2: {  	v24 =	vor.u32 v24, v25  }
0xc3: {  	v25 =	vperm.xlane v24, v17;
	_ =	sdelay $0x1  }
0xc4: {  	v25 =	vadd.s32 v18, v25;
	_ =	sdelay $0x1  }
0xc5: {  	v24 =	vperm.xlane v24, v19;
	_ =	sdelay $0x1  }
0xc6: {  	v24 =	vadd.s32 v18, v24  }
0xc7: {  	[tilespmem:s25], [sflag:$0x2] =	stream.indirect_vreg.gather [hbm4b:s0+s3], $0x80, v25, vm0, $0xb8;
	[tilespmem:$0x107A0] =	vst v63  }
0xc8: {  	_ = 	snop  }
0xc9: {  	[tilespmem:s26], [sflag:$0x2] =	stream.indirect_vreg.gather [hbm4b:s7+s3], $0x80, v25, vm0, $0xb8;
	[tilespmem:$0x107A0] =	vst v63  }
0xca: {  	_ = 	snop  }
0xcb: {  	[tilespmem:s28], [sflag:$0x2] =	stream.indirect_vreg.gather [hbm4b:s0+s3], $0x80, v24, vm0, $0xb8;
	[tilespmem:$0x107A0] =	vst v63  }
0xcc: {  	_ = 	snop  }
0xcd: {  	[tilespmem:s31], [sflag:$0x2] =	stream.indirect_vreg.gather [hbm4b:s7+s3], $0x80, v24, vm0, $0xb8;
	[tilespmem:$0x107A0] =	vst v63  }
0xce: {  	v24 =	vld [tilespmem:$0x260];
	_ =	sdelay $0x4  }
0xcf: {  	v38 =	vshll.u32 v24, $0x2  }
0xd0: {  	v24 =	vand.u32 $0x7, v24;
	v25 =	vand.u32 $0xFFFFFFE0, v38  }
0xd1: {  	v24 =	vor.u32 v24, v25  }
0xd2: {  	v25 =	vperm.xlane v24, v17;
	_ =	sdelay $0x1  }
0xd3: {  	v25 =	vadd.s32 v18, v25;
	_ =	sdelay $0x1  }
0xd4: {  	v24 =	vperm.xlane v24, v19;
	_ =	sdelay $0x1  }
0xd5: {  	s14 =	simm.s32 $0xC400;
	v24 =	vadd.s32 v18, v24  }
0xd6: {  	[tilespmem:s14], [sflag:$0x2] =	stream.indirect_vreg.gather [hbm4b:s0+s3], $0x80, v25, vm0, $0xb8;
	[tilespmem:$0x107A0] =	vst v63  }
0xd7: {  	s14 =	simm.s32 $0xCC00  }
0xd8: {  	[tilespmem:s14], [sflag:$0x2] =	stream.indirect_vreg.gather [hbm4b:s7+s3], $0x80, v25, vm0, $0xb8;
	[tilespmem:$0x107A0] =	vst v63  }
0xd9: {  	s14 =	simm.s32 $0xD400  }
0xda: {  	[tilespmem:s14], [sflag:$0x2] =	stream.indirect_vreg.gather [hbm4b:s0+s3], $0x80, v24, vm0, $0xb8;
	[tilespmem:$0x107A0] =	vst v63  }
0xdb: {  	s14 =	simm.s32 $0xDC00  }
0xdc: {  	[tilespmem:s14], [sflag:$0x2] =	stream.indirect_vreg.gather [hbm4b:s7+s3], $0x80, v24, vm0, $0xb8;
	[tilespmem:$0x107A0] =	vst v63  }
0xdd: {  	v24 =	vld [tilespmem:$0x270];
	_ =	sdelay $0x4  }
0xde: {  	v39 =	vshll.u32 v24, $0x2  }
0xdf: {  	v24 =	vand.u32 $0x7, v24;
	v25 =	vand.u32 $0xFFFFFFE0, v39  }
0xe0: {  	v24 =	vor.u32 v24, v25  }
0xe1: {  	v25 =	vperm.xlane v24, v17;
	_ =	sdelay $0x1  }
0xe2: {  	v25 =	vadd.s32 v18, v25;
	_ =	sdelay $0x1  }
0xe3: {  	v24 =	vperm.xlane v24, v19;
	_ =	sdelay $0x1  }
0xe4: {  	s14 =	simm.s32 $0xE400;
	v24 =	vadd.s32 v18, v24  }
0xe5: {  	[tilespmem:s14], [sflag:$0x2] =	stream.indirect_vreg.gather [hbm4b:s0+s3], $0x80, v25, vm0, $0xb8;
	[tilespmem:$0x107A0] =	vst v63  }
0xe6: {  	s14 =	simm.s32 $0xEC00  }
0xe7: {  	[tilespmem:s14], [sflag:$0x2] =	stream.indirect_vreg.gather [hbm4b:s7+s3], $0x80, v25, vm0, $0xb8;
	[tilespmem:$0x107A0] =	vst v63  }
0xe8: {  	s14 =	simm.s32 $0xF400  }
0xe9: {  	[tilespmem:s14], [sflag:$0x2] =	stream.indirect_vreg.gather [hbm4b:s0+s3], $0x80, v24, vm0, $0xb8;
	[tilespmem:$0x107A0] =	vst v63  }
0xea: {  	s14 =	simm.s32 $0xFC00  }
0xeb: {  	[tilespmem:s14], [sflag:$0x2] =	stream.indirect_vreg.gather [hbm4b:s7+s3], $0x80, v24, vm0, $0xb8;
	[tilespmem:$0x107A0] =	vst v63  }
0xec: {  	v24 =	vld [tilespmem:$0x300];
	_ =	sdelay $0x4  }
0xed: {  	v40 =	vshll.u32 v24, $0x3  }
0xee: {  	v24 =	vand.u32 $0x7F, v24;
	v25 =	vand.u32 $0xFFFFFC00, v40  }
0xef: {  	v24 =	vor.u32 v24, v25  }
0xf0: {  	v24 =	vadd.s32 v20, v24;
	_ =	sdelay $0x1  }
0xf1: {  	v41 =	vld [tilespmem:$0x310]  }
0xf2: {  	v42 =	vld.idx.msk [tilespmem:v1+s12+$0x0], $0xffff  }
0xf3: {  	v43 =	vld [tilespmem:$0x100]  }
0xf4: {  	v24 =	vld.idx.msk [tilespmem:v24+s22+$0x0], $0xffff;
	_ =	sdelay $0x2  }
0xf5: {  	v28 =	vshll.u32 v41, $0x3  }
0xf6: {  	v28 =	vand.u32 $0xFFFFFC00, v28;
	v25 =	vand.u32 $0x7F, v41  }
0xf7: {  	v26 =	vmul.f32 v43, v42;
	v25 =	vor.u32 v25, v28;
	v24 =	vmul.f32 v42, v24  }
0xf8: {  	v25 =	vadd.s32 v21, v25  }
0xf9: {  	v24 =	vsub.f32 v24, v26;
	_ =	sdelay $0x1  }
0xfa: {  	v44 =	vld [tilespmem:$0x320];
	v24 =	vand.u32 $0x7FFFFFFF, v24  }
0xfb: {  	v46 =	vld [tilespmem:$0x110];
	[tilespmem:$0x10400] =	vst v24  }
0xfc: {  	v24 =	vld.idx.msk [tilespmem:v25+s22+$0x0], $0xffff  }
0xfd: {  	v45 =	vld.idx.msk [tilespmem:v2+s12+$0x0], $0xffff;
	_ =	sdelay $0x2  }
0xfe: {  	v47 =	vshll.u32 v44, $0x3  }
0xff: {  	v28 =	vand.u32 $0xFFFFFC00, v47;
	v25 =	vand.u32 $0x7F, v44  }
0x100: {  	v25 =	vor.u32 v25, v28;
	v24 =	vmul.f32 v45, v24;
	v26 =	vmul.f32 v46, v45  }
0x101: {  	v25 =	vadd.s32 v22, v25  }
0x102: {  	v24 =	vsub.f32 v24, v26;
	_ =	sdelay $0x1  }
0x103: {  	v48 =	vld [tilespmem:$0x330];
	v24 =	vand.u32 $0x7FFFFFFF, v24  }
0x104: {  	v50 =	vld [tilespmem:$0x120];
	[tilespmem:$0x10410] =	vst v24  }
0x105: {  	v24 =	vld.idx.msk [tilespmem:v25+s22+$0x0], $0xffff  }
0x106: {  	v49 =	vld.idx.msk [tilespmem:v3+s12+$0x0], $0xffff;
	_ =	sdelay $0x2  }
0x107: {  	v51 =	vshll.u32 v48, $0x3  }
0x108: {  	v28 =	vand.u32 $0xFFFFFC00, v51;
	v25 =	vand.u32 $0x7F, v48  }
0x109: {  	v25 =	vor.u32 v25, v28;
	v24 =	vmul.f32 v49, v24;
	v26 =	vmul.f32 v50, v49  }
0x10a: {  	v25 =	vadd.s32 v23, v25  }
0x10b: {  	v24 =	vsub.f32 v24, v26;
	_ =	sdelay $0x1  }
0x10c: {  	v24 =	vand.u32 $0x7FFFFFFF, v24  }
0x10d: {  	v53 =	vld [tilespmem:$0x130];
	[tilespmem:$0x10420] =	vst v24  }
0x10e: {  	v24 =	vld.idx.msk [tilespmem:v25+s22+$0x0], $0xffff  }
0x10f: {  	v52 =	vld.idx.msk [tilespmem:v4+s12+$0x0], $0xffff;
	_ =	sdelay $0x4  }
0x110: {  	v24 =	vmul.f32 v52, v24;
	v25 =	vmul.f32 v53, v52;
	_ =	sdelay $0x1  }
0x111: {  	v24 =	vsub.f32 v24, v25;
	_ =	sdelay $0x1  }
0x112: {  	v24 =	vand.u32 $0x7FFFFFFF, v24  }
0x113: {  	s14 =	simm.s32 $0x2;
	[tilespmem:$0x10430] =	vst v24  }
0x114: {  	_ =	swait.ge [sflag:s14], $0x8000  }
0x115: {  	[sflag:s14] =	ssyncset.done $0x0  }
0x116: {  	[sflag:s14] =	ssyncadd.s32 $0xFFFF8000  }
0x117: {  	v54 =	vld [tilespmem:$0x280];
	_ =	sdelay $0x4  }
0x118: {  	v55 =	vshll.u32 v54, $0x2  }
0x119: {  	v24 =	vand.u32 $0x7, v54;
	v25 =	vand.u32 $0xFFFFFFE0, v55  }
0x11a: {  	v24 =	vor.u32 v24, v25  }
0x11b: {  	v25 =	vperm.xlane v24, v17;
	_ =	sdelay $0x1  }
0x11c: {  	v25 =	vadd.s32 v18, v25;
	_ =	sdelay $0x1  }
0x11d: {  	v24 =	vperm.xlane v24, v19;
	_ =	sdelay $0x1  }
0x11e: {  	v24 =	vadd.s32 v18, v24  }
0x11f: {  	[tilespmem:s22], [sflag:$0x1] =	stream.indirect_vreg.gather [hbm4b:s0+s3], $0x80, v25, vm0, $0xb8;
	[tilespmem:$0x107A0] =	vst v63  }
0x120: {  	_ = 	snop  }
0x121: {  	[tilespmem:s30], [sflag:$0x1] =	stream.indirect_vreg.gather [hbm4b:s7+s3], $0x80, v25, vm0, $0xb8;
	[tilespmem:$0x107A0] =	vst v63  }
0x122: {  	_ = 	snop  }
0x123: {  	[tilespmem:s2], [sflag:$0x1] =	stream.indirect_vreg.gather [hbm4b:s0+s3], $0x80, v24, vm0, $0xb8;
	[tilespmem:$0x107A0] =	vst v63  }
0x124: {  	_ = 	snop  }
0x125: {  	[tilespmem:s9], [sflag:$0x1] =	stream.indirect_vreg.gather [hbm4b:s7+s3], $0x80, v24, vm0, $0xb8;
	[tilespmem:$0x107A0] =	vst v63  }
0x126: {  	v24 =	vld [tilespmem:$0x290];
	_ =	sdelay $0x4  }
0x127: {  	v56 =	vshll.u32 v24, $0x2  }
0x128: {  	v24 =	vand.u32 $0x7, v24;
	v25 =	vand.u32 $0xFFFFFFE0, v56  }
0x129: {  	v24 =	vor.u32 v24, v25  }
0x12a: {  	v25 =	vperm.xlane v24, v17;
	_ =	sdelay $0x1  }
0x12b: {  	v25 =	vadd.s32 v18, v25;
	_ =	sdelay $0x1  }
0x12c: {  	v24 =	vperm.xlane v24, v19;
	_ =	sdelay $0x1  }
0x12d: {  	v24 =	vadd.s32 v18, v24  }
0x12e: {  	[tilespmem:s13], [sflag:$0x1] =	stream.indirect_vreg.gather [hbm4b:s0+s3], $0x80, v25, vm0, $0xb8;
	[tilespmem:$0x107A0] =	vst v63  }
0x12f: {  	_ = 	snop  }
0x130: {  	[tilespmem:s4], [sflag:$0x1] =	stream.indirect_vreg.gather [hbm4b:s7+s3], $0x80, v25, vm0, $0xb8;
	[tilespmem:$0x107A0] =	vst v63  }
0x131: {  	_ = 	snop  }
0x132: {  	[tilespmem:s5], [sflag:$0x1] =	stream.indirect_vreg.gather [hbm4b:s0+s3], $0x80, v24, vm0, $0xb8;
	[tilespmem:$0x107A0] =	vst v63  }
0x133: {  	_ = 	snop  }
0x134: {  	[tilespmem:s6], [sflag:$0x1] =	stream.indirect_vreg.gather [hbm4b:s7+s3], $0x80, v24, vm0, $0xb8;
	[tilespmem:$0x107A0] =	vst v63  }
0x135: {  	v24 =	vld [tilespmem:$0x2A0];
	_ =	sdelay $0x4  }
0x136: {  	v57 =	vshll.u32 v24, $0x2  }
0x137: {  	v24 =	vand.u32 $0x7, v24;
	v25 =	vand.u32 $0xFFFFFFE0, v57  }
0x138: {  	v24 =	vor.u32 v24, v25  }
0x139: {  	v25 =	vperm.xlane v24, v17;
	_ =	sdelay $0x1  }
0x13a: {  	v25 =	vadd.s32 v18, v25;
	_ =	sdelay $0x1  }
0x13b: {  	v24 =	vperm.xlane v24, v19;
	_ =	sdelay $0x1  }
0x13c: {  	v24 =	vadd.s32 v18, v24  }
0x13d: {  	[tilespmem:s8], [sflag:$0x1] =	stream.indirect_vreg.gather [hbm4b:s0+s3], $0x80, v25, vm0, $0xb8;
	[tilespmem:$0x107A0] =	vst v63  }
0x13e: {  	_ = 	snop  }
0x13f: {  	[tilespmem:s15], [sflag:$0x1] =	stream.indirect_vreg.gather [hbm4b:s7+s3], $0x80, v25, vm0, $0xb8;
	[tilespmem:$0x107A0] =	vst v63  }
0x140: {  	_ = 	snop  }
0x141: {  	[tilespmem:s16], [sflag:$0x1] =	stream.indirect_vreg.gather [hbm4b:s0+s3], $0x80, v24, vm0, $0xb8;
	[tilespmem:$0x107A0] =	vst v63  }
0x142: {  	_ = 	snop  }
0x143: {  	[tilespmem:s17], [sflag:$0x1] =	stream.indirect_vreg.gather [hbm4b:s7+s3], $0x80, v24, vm0, $0xb8;
	[tilespmem:$0x107A0] =	vst v63  }
0x144: {  	v24 =	vld [tilespmem:$0x2B0];
	_ =	sdelay $0x4  }
0x145: {  	v58 =	vshll.u32 v24, $0x2  }
0x146: {  	v24 =	vand.u32 $0x7, v24;
	v25 =	vand.u32 $0xFFFFFFE0, v58  }
0x147: {  	v24 =	vor.u32 v24, v25  }
0x148: {  	v25 =	vperm.xlane v24, v17;
	_ =	sdelay $0x1  }
0x149: {  	v25 =	vadd.s32 v18, v25;
	_ =	sdelay $0x1  }
0x14a: {  	v24 =	vperm.xlane v24, v19;
	_ =	sdelay $0x1  }
0x14b: {  	v24 =	vadd.s32 v18, v24  }
0x14c: {  	[tilespmem:s18], [sflag:$0x1] =	stream.indirect_vreg.gather [hbm4b:s0+s3], $0x80, v25, vm0, $0xb8;
	[tilespmem:$0x107A0] =	vst v63  }
0x14d: {  	_ = 	snop  }
0x14e: {  	[tilespmem:s19], [sflag:$0x1] =	stream.indirect_vreg.gather [hbm4b:s7+s3], $0x80, v25, vm0, $0xb8;
	[tilespmem:$0x107A0] =	vst v63  }
0x14f: {  	_ = 	snop  }
0x150: {  	[tilespmem:s20], [sflag:$0x1] =	stream.indirect_vreg.gather [hbm4b:s0+s3], $0x80, v24, vm0, $0xb8;
	[tilespmem:$0x107A0] =	vst v63  }
0x151: {  	_ = 	snop  }
0x152: {  	[tilespmem:s21], [sflag:$0x1] =	stream.indirect_vreg.gather [hbm4b:s7+s3], $0x80, v24, vm0, $0xb8;
	[tilespmem:$0x107A0] =	vst v63  }
0x153: {  	v24 =	vld [tilespmem:$0x340];
	_ =	sdelay $0x4  }
0x154: {  	v59 =	vshll.u32 v24, $0x3  }
0x155: {  	v24 =	vand.u32 $0x7F, v24;
	v25 =	vand.u32 $0xFFFFFC00, v59  }
0x156: {  	v24 =	vor.u32 v24, v25  }
0x157: {  	v24 =	vadd.s32 v20, v24;
	_ =	sdelay $0x1  }
0x158: {  	v60 =	vld [tilespmem:$0x350]  }
0x159: {  	v61 =	vld.idx.msk [tilespmem:v5+s12+$0x0], $0xffff  }
0x15a: {  	v62 =	vld [tilespmem:$0x140]  }
0x15b: {  	v24 =	vld.idx.msk [tilespmem:v24+s1+$0x0], $0xffff;
	_ =	sdelay $0x2  }
0x15c: {  	v63 =	vshll.u32 v60, $0x3  }
0x15d: {  	v28 =	vand.u32 $0xFFFFFC00, v63;
	v25 =	vand.u32 $0x7F, v60  }
0x15e: {  	v26 =	vmul.f32 v62, v61;
	v25 =	vor.u32 v25, v28;
	v24 =	vmul.f32 v61, v24  }
0x15f: {  	v25 =	vadd.s32 v21, v25  }
0x160: {  	v24 =	vsub.f32 v24, v26;
	_ =	sdelay $0x1  }
0x161: {  	v32 =	vld [tilespmem:$0x360];
	v24 =	vand.u32 $0x7FFFFFFF, v24  }
0x162: {  	v34 =	vld [tilespmem:$0x150];
	[tilespmem:$0x10440] =	vst v24  }
0x163: {  	v24 =	vld.idx.msk [tilespmem:v25+s1+$0x0], $0xffff  }
0x164: {  	v33 =	vld.idx.msk [tilespmem:v6+s12+$0x0], $0xffff;
	_ =	sdelay $0x2  }
0x165: {  	v35 =	vshll.u32 v32, $0x3  }
0x166: {  	v28 =	vand.u32 $0xFFFFFC00, v35;
	v25 =	vand.u32 $0x7F, v32  }
0x167: {  	v25 =	vor.u32 v25, v28;
	v24 =	vmul.f32 v33, v24;
	v26 =	vmul.f32 v34, v33  }
0x168: {  	v25 =	vadd.s32 v22, v25  }
0x169: {  	v24 =	vsub.f32 v24, v26;
	_ =	sdelay $0x1  }
0x16a: {  	v36 =	vld [tilespmem:$0x370];
	v24 =	vand.u32 $0x7FFFFFFF, v24  }
0x16b: {  	v38 =	vld [tilespmem:$0x160];
	[tilespmem:$0x10450] =	vst v24  }
0x16c: {  	v24 =	vld.idx.msk [tilespmem:v25+s1+$0x0], $0xffff  }
0x16d: {  	v37 =	vld.idx.msk [tilespmem:v7+s12+$0x0], $0xffff;
	_ =	sdelay $0x2  }
0x16e: {  	v39 =	vshll.u32 v36, $0x3  }
0x16f: {  	v28 =	vand.u32 $0xFFFFFC00, v39;
	v25 =	vand.u32 $0x7F, v36  }
0x170: {  	v25 =	vor.u32 v25, v28;
	v24 =	vmul.f32 v37, v24;
	v26 =	vmul.f32 v38, v37  }
0x171: {  	v25 =	vadd.s32 v23, v25  }
0x172: {  	v24 =	vsub.f32 v24, v26;
	_ =	sdelay $0x1  }
0x173: {  	v24 =	vand.u32 $0x7FFFFFFF, v24  }
0x174: {  	v41 =	vld [tilespmem:$0x170];
	[tilespmem:$0x10460] =	vst v24  }
0x175: {  	v24 =	vld.idx.msk [tilespmem:v25+s1+$0x0], $0xffff  }
0x176: {  	v40 =	vld.idx.msk [tilespmem:v8+s12+$0x0], $0xffff;
	_ =	sdelay $0x4  }
0x177: {  	v24 =	vmul.f32 v40, v24;
	v25 =	vmul.f32 v41, v40;
	_ =	sdelay $0x1  }
0x178: {  	v24 =	vsub.f32 v24, v25;
	_ =	sdelay $0x1  }
0x179: {  	v24 =	vand.u32 $0x7FFFFFFF, v24  }
0x17a: {  	[tilespmem:$0x10470] =	vst v24  }
0x17b: {  	_ =	swait.ge [sflag:s23], $0x8000  }
0x17c: {  	[sflag:s23] =	ssyncset.done $0x0  }
0x17d: {  	[sflag:s23] =	ssyncadd.s32 $0xFFFF8000  }
0x17e: {  	v42 =	vld [tilespmem:$0x2C0];
	_ =	sdelay $0x4  }
0x17f: {  	v43 =	vshll.u32 v42, $0x2  }
0x180: {  	v24 =	vand.u32 $0x7, v42;
	v25 =	vand.u32 $0xFFFFFFE0, v43  }
0x181: {  	v24 =	vor.u32 v24, v25  }
0x182: {  	v25 =	vperm.xlane v24, v17;
	_ =	sdelay $0x1  }
0x183: {  	v25 =	vadd.s32 v18, v25;
	_ =	sdelay $0x1  }
0x184: {  	v24 =	vperm.xlane v24, v19;
	_ =	sdelay $0x1  }
0x185: {  	v24 =	vadd.s32 v18, v24  }
0x186: {  	[tilespmem:s1], [sflag:$0x2] =	stream.indirect_vreg.gather [hbm4b:s0+s3], $0x80, v25, vm0, $0xb8;
	[tilespmem:$0x107A0] =	vst v63  }
0x187: {  	s4 =	simm.s32 $0x8C00  }
0x188: {  	[tilespmem:s4], [sflag:$0x2] =	stream.indirect_vreg.gather [hbm4b:s7+s3], $0x80, v25, vm0, $0xb8;
	[tilespmem:$0x107A0] =	vst v63  }
0x189: {  	_ = 	snop  }
0x18a: {  	[tilespmem:s29], [sflag:$0x2] =	stream.indirect_vreg.gather [hbm4b:s0+s3], $0x80, v24, vm0, $0xb8;
	[tilespmem:$0x107A0] =	vst v63  }
0x18b: {  	_ = 	snop  }
0x18c: {  	[tilespmem:s24], [sflag:$0x2] =	stream.indirect_vreg.gather [hbm4b:s7+s3], $0x80, v24, vm0, $0xb8;
	[tilespmem:$0x107A0] =	vst v63  }
0x18d: {  	v24 =	vld [tilespmem:$0x2D0];
	_ =	sdelay $0x4  }
0x18e: {  	v44 =	vshll.u32 v24, $0x2  }
0x18f: {  	v24 =	vand.u32 $0x7, v24;
	v25 =	vand.u32 $0xFFFFFFE0, v44  }
0x190: {  	v24 =	vor.u32 v24, v25  }
0x191: {  	v25 =	vperm.xlane v24, v17;
	_ =	sdelay $0x1  }
0x192: {  	v25 =	vadd.s32 v18, v25;
	_ =	sdelay $0x1  }
0x193: {  	v24 =	vperm.xlane v24, v19;
	_ =	sdelay $0x1  }
0x194: {  	v24 =	vadd.s32 v18, v24  }
0x195: {  	[tilespmem:s25], [sflag:$0x2] =	stream.indirect_vreg.gather [hbm4b:s0+s3], $0x80, v25, vm0, $0xb8;
	[tilespmem:$0x107A0] =	vst v63  }
0x196: {  	_ = 	snop  }
0x197: {  	[tilespmem:s26], [sflag:$0x2] =	stream.indirect_vreg.gather [hbm4b:s7+s3], $0x80, v25, vm0, $0xb8;
	[tilespmem:$0x107A0] =	vst v63  }
0x198: {  	_ = 	snop  }
0x199: {  	[tilespmem:s28], [sflag:$0x2] =	stream.indirect_vreg.gather [hbm4b:s0+s3], $0x80, v24, vm0, $0xb8;
	[tilespmem:$0x107A0] =	vst v63  }
0x19a: {  	_ = 	snop  }
0x19b: {  	[tilespmem:s31], [sflag:$0x2] =	stream.indirect_vreg.gather [hbm4b:s7+s3], $0x80, v24, vm0, $0xb8;
	[tilespmem:$0x107A0] =	vst v63  }
0x19c: {  	v24 =	vld [tilespmem:$0x2E0];
	_ =	sdelay $0x4  }
0x19d: {  	v45 =	vshll.u32 v24, $0x2  }
0x19e: {  	v24 =	vand.u32 $0x7, v24;
	v25 =	vand.u32 $0xFFFFFFE0, v45  }
0x19f: {  	v24 =	vor.u32 v24, v25  }
0x1a0: {  	v25 =	vperm.xlane v24, v17;
	_ =	sdelay $0x1  }
0x1a1: {  	v25 =	vadd.s32 v18, v25;
	_ =	sdelay $0x1  }
0x1a2: {  	v24 =	vperm.xlane v24, v19;
	_ =	sdelay $0x1  }
0x1a3: {  	s29 =	simm.s32 $0xC400;
	v24 =	vadd.s32 v18, v24  }
0x1a4: {  	[tilespmem:s29], [sflag:$0x2] =	stream.indirect_vreg.gather [hbm4b:s0+s3], $0x80, v25, vm0, $0xb8;
	[tilespmem:$0x107A0] =	vst v63  }
0x1a5: {  	s4 =	simm.s32 $0xCC00  }
0x1a6: {  	[tilespmem:s4], [sflag:$0x2] =	stream.indirect_vreg.gather [hbm4b:s7+s3], $0x80, v25, vm0, $0xb8;
	[tilespmem:$0x107A0] =	vst v63  }
0x1a7: {  	s24 =	simm.s32 $0xD400  }
0x1a8: {  	[tilespmem:s24], [sflag:$0x2] =	stream.indirect_vreg.gather [hbm4b:s0+s3], $0x80, v24, vm0, $0xb8;
	[tilespmem:$0x107A0] =	vst v63  }
0x1a9: {  	s29 =	simm.s32 $0xDC00  }
0x1aa: {  	[tilespmem:s29], [sflag:$0x2] =	stream.indirect_vreg.gather [hbm4b:s7+s3], $0x80, v24, vm0, $0xb8;
	[tilespmem:$0x107A0] =	vst v63  }
0x1ab: {  	v24 =	vld [tilespmem:$0x2F0];
	_ =	sdelay $0x4  }
0x1ac: {  	v46 =	vshll.u32 v24, $0x2  }
0x1ad: {  	v24 =	vand.u32 $0x7, v24;
	v25 =	vand.u32 $0xFFFFFFE0, v46  }
0x1ae: {  	v24 =	vor.u32 v24, v25  }
0x1af: {  	v25 =	vperm.xlane v24, v17;
	_ =	sdelay $0x1  }
0x1b0: {  	v25 =	vadd.s32 v18, v25;
	_ =	sdelay $0x1  }
0x1b1: {  	v24 =	vperm.xlane v24, v19;
	_ =	sdelay $0x1  }
0x1b2: {  	s4 =	simm.s32 $0xE400;
	v24 =	vadd.s32 v18, v24  }
0x1b3: {  	[tilespmem:s4], [sflag:$0x2] =	stream.indirect_vreg.gather [hbm4b:s0+s3], $0x80, v25, vm0, $0xb8;
	[tilespmem:$0x107A0] =	vst v63  }
0x1b4: {  	s24 =	simm.s32 $0xEC00  }
0x1b5: {  	[tilespmem:s24], [sflag:$0x2] =	stream.indirect_vreg.gather [hbm4b:s7+s3], $0x80, v25, vm0, $0xb8;
	[tilespmem:$0x107A0] =	vst v63  }
0x1b6: {  	s29 =	simm.s32 $0xF400  }
0x1b7: {  	[tilespmem:s29], [sflag:$0x2] =	stream.indirect_vreg.gather [hbm4b:s0+s3], $0x80, v24, vm0, $0xb8;
	[tilespmem:$0x107A0] =	vst v63  }
0x1b8: {  	s4 =	simm.s32 $0xFC00  }
0x1b9: {  	[tilespmem:s4], [sflag:$0x2] =	stream.indirect_vreg.gather [hbm4b:s7+s3], $0x80, v24, vm0, $0xb8;
	[tilespmem:$0x107A0] =	vst v63  }
0x1ba: {  	v24 =	vld [tilespmem:$0x380];
	_ =	sdelay $0x4  }
0x1bb: {  	v47 =	vshll.u32 v24, $0x3  }
0x1bc: {  	v24 =	vand.u32 $0x7F, v24;
	v25 =	vand.u32 $0xFFFFFC00, v47  }
0x1bd: {  	v24 =	vor.u32 v24, v25  }
0x1be: {  	v24 =	vadd.s32 v20, v24;
	_ =	sdelay $0x1  }
0x1bf: {  	v48 =	vld [tilespmem:$0x390]  }
0x1c0: {  	v49 =	vld.idx.msk [tilespmem:v9+s12+$0x0], $0xffff  }
0x1c1: {  	v50 =	vld [tilespmem:$0x180]  }
0x1c2: {  	v24 =	vld.idx.msk [tilespmem:v24+s22+$0x0], $0xffff;
	_ =	sdelay $0x2  }
0x1c3: {  	v51 =	vshll.u32 v48, $0x3  }
0x1c4: {  	v28 =	vand.u32 $0xFFFFFC00, v51;
	v25 =	vand.u32 $0x7F, v48  }
0x1c5: {  	v26 =	vmul.f32 v50, v49;
	v25 =	vor.u32 v25, v28;
	v24 =	vmul.f32 v49, v24  }
0x1c6: {  	v25 =	vadd.s32 v21, v25  }
0x1c7: {  	v24 =	vsub.f32 v24, v26;
	_ =	sdelay $0x1  }
0x1c8: {  	v52 =	vld [tilespmem:$0x3A0];
	v24 =	vand.u32 $0x7FFFFFFF, v24  }
0x1c9: {  	v54 =	vld [tilespmem:$0x190];
	[tilespmem:$0x10480] =	vst v24  }
0x1ca: {  	v25 =	vld.idx.msk [tilespmem:v25+s22+$0x0], $0xffff  }
0x1cb: {  	v53 =	vld.idx.msk [tilespmem:v10+s12+$0x0], $0xffff;
	_ =	sdelay $0x2  }
0x1cc: {  	v29 =	vshll.u32 v52, $0x3  }
0x1cd: {  	v29 =	vand.u32 $0xFFFFFC00, v29;
	v26 =	vand.u32 $0x7F, v52  }
0x1ce: {  	v26 =	vor.u32 v26, v29;
	v25 =	vmul.f32 v53, v25;
	v27 =	vmul.f32 v54, v53  }
0x1cf: {  	v26 =	vadd.s32 v22, v26  }
0x1d0: {  	v25 =	vsub.f32 v25, v27;
	_ =	sdelay $0x1  }
0x1d1: {  	v55 =	vld [tilespmem:$0x3B0];
	v25 =	vand.u32 $0x7FFFFFFF, v25  }
0x1d2: {  	v57 =	vld [tilespmem:$0x1A0];
	[tilespmem:$0x10490] =	vst v25  }
0x1d3: {  	v26 =	vld.idx.msk [tilespmem:v26+s22+$0x0], $0xffff  }
0x1d4: {  	v56 =	vld.idx.msk [tilespmem:v11+s12+$0x0], $0xffff;
	_ =	sdelay $0x2  }
0x1d5: {  	v30 =	vshll.u32 v55, $0x3  }
0x1d6: {  	v30 =	vand.u32 $0xFFFFFC00, v30;
	v27 =	vand.u32 $0x7F, v55  }
0x1d7: {  	v27 =	vor.u32 v27, v30;
	v26 =	vmul.f32 v56, v26;
	v28 =	vmul.f32 v57, v56  }
0x1d8: {  	v27 =	vadd.s32 v23, v27  }
0x1d9: {  	v26 =	vsub.f32 v26, v28;
	_ =	sdelay $0x1  }
0x1da: {  	v26 =	vand.u32 $0x7FFFFFFF, v26  }
0x1db: {  	v59 =	vld [tilespmem:$0x1B0];
	[tilespmem:$0x104A0] =	vst v26  }
0x1dc: {  	v27 =	vld.idx.msk [tilespmem:v27+s22+$0x0], $0xffff  }
0x1dd: {  	v58 =	vld.idx.msk [tilespmem:v12+s12+$0x0], $0xffff;
	_ =	sdelay $0x4  }
0x1de: {  	v27 =	vmul.f32 v58, v27;
	v28 =	vmul.f32 v59, v58;
	_ =	sdelay $0x1  }
0x1df: {  	v27 =	vsub.f32 v27, v28;
	_ =	sdelay $0x1  }
0x1e0: {  	v27 =	vand.u32 $0x7FFFFFFF, v27  }
0x1e1: {  	[tilespmem:$0x104B0] =	vst v27  }
0x1e2: {  	_ =	swait.ge [sflag:s14], $0x8000  }
0x1e3: {  	[sflag:s14] =	ssyncset.done $0x0  }
0x1e4: {  	[sflag:s14] =	ssyncadd.s32 $0xFFFF8000  }
0x1e5: {  	v60 =	vld [tilespmem:$0x3C0];
	_ =	sdelay $0x4  }
0x1e6: {  	v61 =	vshll.u32 v60, $0x3  }
0x1e7: {  	v28 =	vand.u32 $0x7F, v60;
	v29 =	vand.u32 $0xFFFFFC00, v61  }
0x1e8: {  	v28 =	vor.u32 v28, v29  }
0x1e9: {  	v28 =	vadd.s32 v20, v28;
	_ =	sdelay $0x1  }
0x1ea: {  	v62 =	vld [tilespmem:$0x3D0]  }
0x1eb: {  	v63 =	vld.idx.msk [tilespmem:v13+s12+$0x0], $0xffff  }
0x1ec: {  	v31 =	vld [tilespmem:$0x1C0]  }
0x1ed: {  	v28 =	vld.idx.msk [tilespmem:v28+s1+$0x0], $0xffff;
	_ =	sdelay $0x2  }
0x1ee: {  	v32 =	vshll.u32 v62, $0x3  }
0x1ef: {  	v32 =	vand.u32 $0xFFFFFC00, v32;
	v29 =	vand.u32 $0x7F, v62  }
0x1f0: {  	v30 =	vmul.f32 v31, v63;
	v29 =	vor.u32 v29, v32;
	v28 =	vmul.f32 v63, v28  }
0x1f1: {  	v29 =	vadd.s32 v21, v29  }
0x1f2: {  	v28 =	vsub.f32 v28, v30;
	_ =	sdelay $0x1  }
0x1f3: {  	v36 =	vld [tilespmem:$0x3E0];
	v28 =	vand.u32 $0x7FFFFFFF, v28  }
0x1f4: {  	v38 =	vld [tilespmem:$0x1D0];
	[tilespmem:$0x104C0] =	vst v28  }
0x1f5: {  	v29 =	vld.idx.msk [tilespmem:v29+s1+$0x0], $0xffff  }
0x1f6: {  	v37 =	vld.idx.msk [tilespmem:v14+s12+$0x0], $0xffff;
	_ =	sdelay $0x2  }
0x1f7: {  	v33 =	vshll.u32 v36, $0x3  }
0x1f8: {  	v33 =	vand.u32 $0xFFFFFC00, v33;
	v30 =	vand.u32 $0x7F, v36  }
0x1f9: {  	v30 =	vor.u32 v30, v33;
	v29 =	vmul.f32 v37, v29;
	v31 =	vmul.f32 v38, v37  }
0x1fa: {  	v30 =	vadd.s32 v22, v30  }
0x1fb: {  	v29 =	vsub.f32 v29, v31;
	_ =	sdelay $0x1  }
0x1fc: {  	v39 =	vld [tilespmem:$0x3F0];
	v29 =	vand.u32 $0x7FFFFFFF, v29  }
0x1fd: {  	v41 =	vld [tilespmem:$0x1E0];
	[tilespmem:$0x104D0] =	vst v29  }
0x1fe: {  	v30 =	vld.idx.msk [tilespmem:v30+s1+$0x0], $0xffff  }
0x1ff: {  	v40 =	vld.idx.msk [tilespmem:v15+s12+$0x0], $0xffff;
	_ =	sdelay $0x2  }
0x200: {  	v34 =	vshll.u32 v39, $0x3  }
0x201: {  	v34 =	vand.u32 $0xFFFFFC00, v34;
	v31 =	vand.u32 $0x7F, v39  }
0x202: {  	v31 =	vor.u32 v31, v34;
	v30 =	vmul.f32 v40, v30;
	v32 =	vmul.f32 v41, v40  }
0x203: {  	v31 =	vadd.s32 v23, v31  }
0x204: {  	v30 =	vsub.f32 v30, v32;
	_ =	sdelay $0x1  }
0x205: {  	v30 =	vand.u32 $0x7FFFFFFF, v30  }
0x206: {  	v43 =	vld [tilespmem:$0x1F0];
	[tilespmem:$0x104E0] =	vst v30  }
0x207: {  	v31 =	vld.idx.msk [tilespmem:v31+s1+$0x0], $0xffff  }
0x208: {  	v42 =	vld.idx.msk [tilespmem:v16+s12+$0x0], $0xffff;
	_ =	sdelay $0x4  }
0x209: {  	v31 =	vmul.f32 v42, v31;
	v32 =	vmul.f32 v43, v42;
	_ =	sdelay $0x1  }
0x20a: {  	v31 =	vsub.f32 v31, v32;
	_ =	sdelay $0x1  }
0x20b: {  	v31 =	vand.u32 $0x7FFFFFFF, v31  }
0x20c: {  	v44 =	vld [tilespmem:$0x10400];
	[tilespmem:$0x104F0] =	vst v31  }
0x20d: {  	v45 =	vld.idx.msk [tilespmem:v1+s12+$0x0], $0xffff  }
0x20e: {  	v46 =	vld [tilespmem:$0x10410]  }
0x20f: {  	v35 =	vld.idx.msk [tilespmem:v2+s12+$0x0], $0xffff  }
0x210: {  	v36 =	vld [tilespmem:$0x10420]  }
0x211: {  	v32 =	vadd.f32 $0.0e+00, v44;
	v37 =	vld.idx.msk [tilespmem:v3+s12+$0x0], $0xffff  }
0x212: {  	v38 =	vld [tilespmem:$0x10430];
	v33 =	vadd.f32 $0.0e+00, v45  }
0x213: {  	v32 =	vadd.f32 v46, v32;
	v47 =	vld.idx.msk [tilespmem:v4+s12+$0x0], $0xffff  }
0x214: {  	v48 =	vld [tilespmem:$0x10440];
	v33 =	vadd.f32 v35, v33  }
0x215: {  	v32 =	vadd.f32 v36, v32;
	v49 =	vld.idx.msk [tilespmem:v5+s12+$0x0], $0xffff  }
0x216: {  	v50 =	vld [tilespmem:$0x10450];
	v33 =	vadd.f32 v37, v33  }
0x217: {  	v51 =	vld.idx.msk [tilespmem:v6+s12+$0x0], $0xffff;
	v32 =	vadd.f32 v38, v32  }
0x218: {  	v52 =	vld [tilespmem:$0x10460];
	v33 =	vadd.f32 v47, v33  }
0x219: {  	v53 =	vld.idx.msk [tilespmem:v7+s12+$0x0], $0xffff;
	v32 =	vadd.f32 v48, v32  }
0x21a: {  	v54 =	vld [tilespmem:$0x10470];
	v33 =	vadd.f32 v49, v33  }
0x21b: {  	v55 =	vld.idx.msk [tilespmem:v8+s12+$0x0], $0xffff;
	v32 =	vadd.f32 v50, v32  }
0x21c: {  	v33 =	vadd.f32 v51, v33  }
0x21d: {  	v56 =	vld.idx.msk [tilespmem:v9+s12+$0x0], $0xffff;
	v32 =	vadd.f32 v52, v32  }
0x21e: {  	v33 =	vadd.f32 v53, v33  }
0x21f: {  	v57 =	vld.idx.msk [tilespmem:v10+s12+$0x0], $0xffff;
	v32 =	vadd.f32 v54, v32  }
0x220: {  	v33 =	vadd.f32 v55, v33  }
0x221: {  	v58 =	vld.idx.msk [tilespmem:v11+s12+$0x0], $0xffff;
	v24 =	vadd.f32 v32, v24  }
0x222: {  	v33 =	vadd.f32 v56, v33  }
0x223: {  	v59 =	vld.idx.msk [tilespmem:v12+s12+$0x0], $0xffff;
	v24 =	vadd.f32 v24, v25  }
0x224: {  	v33 =	vadd.f32 v57, v33  }
0x225: {  	v60 =	vld.idx.msk [tilespmem:v13+s12+$0x0], $0xffff;
	v24 =	vadd.f32 v24, v26  }
0x226: {  	v32 =	vadd.f32 v58, v33  }
0x227: {  	v61 =	vld.idx.msk [tilespmem:v14+s12+$0x0], $0xffff;
	v24 =	vadd.f32 v24, v27  }
0x228: {  	v25 =	vadd.f32 v59, v32  }
0x229: {  	v62 =	vld.idx.msk [tilespmem:v15+s12+$0x0], $0xffff;
	v24 =	vadd.f32 v24, v28  }
0x22a: {  	v25 =	vadd.f32 v60, v25  }
0x22b: {  	v63 =	vld.idx.msk [tilespmem:v16+s12+$0x0], $0xffff;
	v24 =	vadd.f32 v24, v29  }
0x22c: {  	v25 =	vadd.f32 v61, v25  }
0x22d: {  	v24 =	vadd.f32 v24, v30  }
0x22e: {  	v25 =	vadd.f32 v62, v25  }
0x22f: {  	v24 =	vadd.f32 v24, v31  }
0x230: {  	v25 =	vadd.f32 v63, v25  }
0x231: {  	[tilespmem:$0x10500] =	vst v24  }
0x232: {  	s29 =	simm.s32 $0x10500;
	s24 =	rddreg [dreg:$0xa];
	[tilespmem:$0x10510] =	vst v25  }
0x233: {  	[spmem:s24] =	stream.linear.scatter [tilespmem:s29], [sflag:$0x3], $0x20, $0x38;
	[tilespmem:$0x107A0] =	vst v63  }
.Ltmp2:
0x234: {  	_ =	swait.ge [sflag:s11], $0x20;
	(pc) =	sbr.rel @p0 .LBB2_3-.Ltmp2, $3  }
0x235: {  	[sflag:s11] =	ssyncset.done $0x0  }
0x236: {  	[sflag:s11] =	ssyncadd.s32 $0xFFFFFFE0  }
0x237: {  	[bflag:$0x0] =	sbarrier.arrive $0xFFFF;
	_ =	sdelay $0x1  }
0x238: {  	s24 =	rddreg [dreg:$0x4];
	s2 =	simm.s32 $0x10580  }
0x239: {  	[tilespmem:s2], [sflag:$0x3] =	stream.linear.gather [spmem:s24], $0x200, $0x38;
	[tilespmem:$0x107A0] =	vst v63  }
0x23a: {  	_ =	swait.ge [sflag:s11], $0x200  }
0x23b: {  	[sflag:s11] =	ssyncset.done $0x0  }
0x23c: {  	[sflag:s11] =	ssyncadd.s32 $0xFFFFFE00  }
0x23d: {  	v24 =	vld [tilespmem:$0x10580]  }
0x23e: {  	v25 =	vld [tilespmem:$0x10590]  }
0x23f: {  	v26 =	vld [tilespmem:$0x105A0]  }
0x240: {  	v27 =	vld [tilespmem:$0x105B0]  }
0x241: {  	v28 =	vld [tilespmem:$0x105C0]  }
0x242: {  	v29 =	vld [tilespmem:$0x105D0];
	v24 =	vadd.f32 $0.0e+00, v24  }
0x243: {  	v30 =	vld [tilespmem:$0x105E0];
	v25 =	vadd.f32 $0.0e+00, v25  }
0x244: {  	v39 =	vld [tilespmem:$0x105F0];
	v24 =	vadd.f32 v26, v24  }
0x245: {  	v40 =	vld [tilespmem:$0x10600];
	v25 =	vadd.f32 v27, v25  }
0x246: {  	v41 =	vld [tilespmem:$0x10610];
	v24 =	vadd.f32 v28, v24  }
0x247: {  	v42 =	vld [tilespmem:$0x10620];
	v25 =	vadd.f32 v29, v25  }
0x248: {  	v43 =	vld [tilespmem:$0x10630];
	v24 =	vadd.f32 v30, v24  }
0x249: {  	v44 =	vld [tilespmem:$0x10640];
	v25 =	vadd.f32 v39, v25  }
0x24a: {  	v45 =	vld [tilespmem:$0x10650];
	v24 =	vadd.f32 v40, v24  }
0x24b: {  	v46 =	vld [tilespmem:$0x10660];
	v25 =	vadd.f32 v41, v25  }
0x24c: {  	v47 =	vld [tilespmem:$0x10670];
	v24 =	vadd.f32 v42, v24  }
0x24d: {  	v48 =	vld [tilespmem:$0x10680];
	v25 =	vadd.f32 v43, v25  }
0x24e: {  	v49 =	vld [tilespmem:$0x10690];
	v24 =	vadd.f32 v44, v24  }
0x24f: {  	v50 =	vld [tilespmem:$0x106A0];
	v25 =	vadd.f32 v45, v25  }
0x250: {  	v51 =	vld [tilespmem:$0x106B0];
	v24 =	vadd.f32 v46, v24  }
0x251: {  	v52 =	vld [tilespmem:$0x106C0];
	v25 =	vadd.f32 v47, v25  }
0x252: {  	v53 =	vld [tilespmem:$0x106D0];
	v24 =	vadd.f32 v48, v24  }
0x253: {  	v54 =	vld [tilespmem:$0x106E0];
	v25 =	vadd.f32 v49, v25  }
0x254: {  	v55 =	vld [tilespmem:$0x106F0];
	v24 =	vadd.f32 v50, v24  }
0x255: {  	v56 =	vld [tilespmem:$0x10700];
	v25 =	vadd.f32 v51, v25  }
0x256: {  	v57 =	vld [tilespmem:$0x10710];
	v24 =	vadd.f32 v52, v24  }
0x257: {  	v58 =	vld [tilespmem:$0x10720];
	v25 =	vadd.f32 v53, v25  }
0x258: {  	v59 =	vld [tilespmem:$0x10730];
	v24 =	vadd.f32 v54, v24  }
0x259: {  	v60 =	vld [tilespmem:$0x10740];
	v25 =	vadd.f32 v55, v25  }
0x25a: {  	v61 =	vld [tilespmem:$0x10750];
	v24 =	vadd.f32 v56, v24  }
0x25b: {  	v62 =	vld [tilespmem:$0x10760];
	v25 =	vadd.f32 v57, v25  }
0x25c: {  	v63 =	vld [tilespmem:$0x10770];
	v24 =	vadd.f32 v58, v24  }
0x25d: {  	v25 =	vadd.f32 v59, v25  }
0x25e: {  	v24 =	vadd.f32 v60, v24  }
0x25f: {  	v25 =	vadd.f32 v61, v25  }
0x260: {  	v24 =	vadd.f32 v62, v24  }
0x261: {  	v25 =	vadd.f32 v63, v25  }
0x262: {  	[tilespmem:$0x10500] =	vst v24  }
.Ltmp3:
0x263: {  	s24 =	simm.s32 $0x10500;
	s29 =	rddreg [dreg:$0x6];
	[tilespmem:$0x10510] =	vst v25;
	(pc) =	sbr.rel .LBB2_3-.Ltmp3, $4  }
0x264: {  	[hbm4b:s29+s3] =	stream.linear.scatter [tilespmem:s24], [sflag:$0x3], $0x80, $0x38;
	[tilespmem:$0x107A0] =	vst v63  }
0x265: {  	_ =	swait.ge [sflag:s11], $0x80  }
0x266: {  	[sflag:s11] =	ssyncset.done $0x0  }
0x267: {  	[sflag:s11] =	ssyncadd.s32 $0xFFFFFF80  }
.LBB2_4:
0x268: {  	_ =	sfence.sel $0x180000  }
0x269: {  	[bflag:$0x0] =	sbarrier.arrive $0xFFFF  }
0x26a: {  	_ =	strace $0x90000047  }
0x26b: {  	[bflag:$0x2] =	sbarrier.arrive $0xFFFF  }
0x26c: {  	s0 =	rddreg [dreg:$0x5]  }
0x26d: {  	s0 =	sadd.s32 @!p0 $0x100000, s0  }
0x26e: {  	[sflag:s0] =	ssyncadd.tile.s32 @!p0 $0x1;
	_ =	shalt  }
.Lfunc_end2:
_tile_overlayer_lowered:
.L_overlay_start_2:
0x26f: {  	(tag) =	ssettag $0x2  }
0x270: {  	s0 =	rddreg [dreg:$0x0];
	s2 =	stileid.u32  }
0x271: {  	s1 =	rddreg [dreg:$0x1];
	p0 =	sne.s32 s2, $0x0  }
0x272: {  	s3 =	rddreg [dreg:$0x2];
	[bflag:$0x3] =	sbarrier.arrive $0xFFFF;
	s2 =	simm.s32 @!p0 $0x1C03  }
0x273: {  	[timem:s3], [sflag:s2] =	dma.local @!p0 [hbm:s0], s1  }
0x274: {  	s0 =	simm.s32 @!p0 $0x3  }
0x275: {  	_ =	swait.ge @!p0 [sflag:s0], s1  }
0x276: {  	s1 =	ssub.s32 @!p0 $0x0, s1;
	[sflag:s0] =	ssyncset.done @!p0 $0x0  }
0x277: {  	[sflag:s0] =	ssyncadd.s32 @!p0 s1  }
0x278: {  	[bflag:$0x3] =	sbarrier.arrive $0xFFFF  }
0x279: {  	_ =	shalt  }

</sc_bundles>
